<compile_context>
chip_gen: v7x
topology: tpu7x:2x2x1
jax: 0.10.2.dev20260603
libtpu: 0.0.44.dev20260713+nightly
codegen_flags: <defaults>
</compile_context>

<pallas_src>
import functools

import jax
import jax.numpy as jnp
from jax import lax
from jax.experimental import pallas as pl
from jax.experimental.pallas import tpu as pltpu
from jax.experimental.pallas import tpu_sc as plsc

_NODES = 26
_KPAD = 128
_B = 1024
_NC, _NS = 2, 16
_NW = _NC * _NS
_BPW = _B // _NW
_BT = 64
_RT = _BT * _NODES
_GRP = 16
_RG = _GRP * _NODES
_F32 = jnp.float32


def _sc_gather(table, indices, chunk):
    d = table.shape[1]
    nrows = indices.shape[0]
    per_w = nrows // _NW
    nchunks = per_w // chunk
    mesh = plsc.VectorSubcoreMesh(core_axis_name="c", subcore_axis_name="s")

    @functools.partial(
        pl.kernel,
        mesh=mesh,
        out_type=jax.ShapeDtypeStruct((nrows, d), _F32),
        scratch_types=[
            pltpu.VMEM((chunk,), jnp.int32),
            pltpu.VMEM((chunk,), jnp.int32),
            pltpu.VMEM((chunk, d), _F32),
            pltpu.VMEM((chunk, d), _F32),
            pltpu.SemaphoreType.DMA,
            pltpu.SemaphoreType.DMA,
            pltpu.SemaphoreType.DMA,
            pltpu.SemaphoreType.DMA,
        ],
    )
    def gather_kernel(t_hbm, idx_hbm, out_hbm,
                      idx0, idx1, buf0, buf1, sg0, sg1, sw0, sw1):
        wid = lax.axis_index("s") * _NC + lax.axis_index("c")
        base = wid * per_w
        idxs = (idx0, idx1)
        bufs = (buf0, buf1)
        gsems = (sg0, sg1)
        wsems = (sw0, sw1)

        def issue(c):
            b = c % 2
            pltpu.sync_copy(idx_hbm.at[pl.ds(base + c * chunk, chunk)],
                            idxs[b])
            return pltpu.async_copy(t_hbm.at[idxs[b]], bufs[b], gsems[b])

        gathers = [issue(0), issue(1)] + [None] * (nchunks - 2)
        writes = [None] * nchunks
        for c in range(nchunks):
            b = c % 2
            gathers[c].wait()
            writes[c] = pltpu.async_copy(
                bufs[b], out_hbm.at[pl.ds(base + c * chunk, chunk)],
                wsems[b])
            if c + 2 < nchunks:
                writes[c].wait()
                gathers[c + 2] = issue(c + 2)
        for c in (nchunks - 2, nchunks - 1):
            if writes[c] is not None:
                writes[c].wait()

    return gather_kernel(table, indices)




def _tc_body(xb_ref, kb_ref, w0_ref, w1_ref, wl_ref, out_ref,
             s_ref, p_ref, m_ref):
    @pl.when(pl.program_id(0) == 0)
    def _init_masks():
        rowv = lax.broadcasted_iota(jnp.int32, (_BT, _RT), 0) * _NODES
        colv = lax.broadcasted_iota(jnp.int32, (_BT, _RT), 1)
        s_ref[...] = ((colv >= rowv) & (colv < rowv + _NODES)).astype(_F32)
        ir = lax.broadcasted_iota(jnp.int32, (_NODES, _NODES), 0)
        ic = lax.broadcasted_iota(jnp.int32, (_NODES, _NODES), 1)
        eye = (ir == ic).astype(_F32)
        for gj in range(_GRP):
            p_ref[:, gj * _NODES:(gj + 1) * _NODES] = eye
        rv = lax.broadcasted_iota(jnp.int32, (_GRP, _RG), 0) * _NODES
        cv = lax.broadcasted_iota(jnp.int32, (_GRP, _RG), 1)
        s16 = ((cv >= rv) & (cv < rv + _NODES)).astype(_F32)
        m_ref[...] = lax.dot_general(
            s16, s16, (((0,), (0,)), ((), ())),
            preferred_element_type=_F32)

    xb = xb_ref[...]
    kb = kb_ref[...][:, :_NODES]
    w0 = w0_ref[...]
    w1 = w1_ref[...]
    wl = wl_ref[...]
    s_mask = s_ref[...]
    p_tile = p_ref[...]
    m_mask = m_ref[...]

    dinv_r = lax.rsqrt(jnp.sum(kb, axis=1, keepdims=True))
    colsum = jnp.dot(s_mask, kb, preferred_element_type=_F32)
    dinv_b = lax.rsqrt(colsum)
    dinv_c = lax.dot_general(
        s_mask, dinv_b, (((0,), (0,)), ((), ())),
        preferred_element_type=_F32)
    a_rows = kb * dinv_r * dinv_c

    h0 = jnp.dot(xb, w0, preferred_element_type=_F32)

    h1_parts = []
    for g in range(_BT // _GRP):
        rows = slice(g * _RG, (g + 1) * _RG)
        bd = jnp.dot(a_rows[rows], p_tile,
                     preferred_element_type=_F32) * m_mask
        agg = lax.dot_general(
            bd, h0[rows], (((0,), (0,)), ((), ())),
            preferred_element_type=_F32)
        h1_parts.append(jnp.maximum(agg, 0.0))
    h1 = jnp.concatenate(h1_parts, axis=0)

    g1 = jnp.dot(h1, w1, preferred_element_type=_F32)
    wg1 = g1 * a_rows[:, 0:1]
    centers = jnp.maximum(
        jnp.dot(s_mask, wg1, preferred_element_type=_F32), 0.0)
    out_ref[...] = jnp.maximum(
        jnp.dot(centers, wl, preferred_element_type=_F32), 0.0)


def _tc_compute(xg2, kg2, W0, W1, Wlin):
    in_dim = xg2.shape[1]
    h0 = W0.shape[1]
    h1 = W1.shape[1]
    od = Wlin.shape[1]
    return pl.pallas_call(
        _tc_body,
        grid=(_B // _BT,),
        in_specs=[
            pl.BlockSpec((_RT, in_dim), lambda i: (i, 0)),
            pl.BlockSpec((_RT, _KPAD), lambda i: (i, 0)),
            pl.BlockSpec((in_dim, h0), lambda i: (0, 0)),
            pl.BlockSpec((h0, h1), lambda i: (0, 0)),
            pl.BlockSpec((h1, od), lambda i: (0, 0)),
        ],
        out_specs=pl.BlockSpec((_BT, od), lambda i: (i, 0)),
        out_shape=jax.ShapeDtypeStruct((_B, od), _F32),
        scratch_shapes=[
            pltpu.VMEM((_BT, _RT), _F32),
            pltpu.VMEM((_NODES, _RG), _F32),
            pltpu.VMEM((_RG, _RG), _F32),
        ],
    )(xg2, kg2, W0, W1, Wlin)


def kernel(indices, graph_x, kernel, W0, W1, Wlin):
    n, nodes, in_dim = graph_x.shape
    xt = jnp.transpose(graph_x, (1, 0, 2)).reshape(nodes * n, in_dim)
    kp = jnp.pad(kernel, ((0, 0), (0, 0), (0, _KPAD - nodes)))
    kt = jnp.transpose(kp, (1, 0, 2)).reshape(nodes * n, _KPAD)
    idx_exp = (indices[:, None]
               + (jnp.arange(nodes, dtype=jnp.int32) * n)[None, :]
               ).reshape(-1)
    xg2 = _sc_gather(xt, idx_exp, 416)
    kg2 = _sc_gather(kt, idx_exp, 416)
    return _tc_compute(xg2, kg2, W0, W1, Wlin)

# --- scband reference (transcript-rebuilt; emitter-appended) ---
"""Pipeline reference for scband-kcn-32461362823678 (READ-ONLY COPY).

The authoritative reference and input builder live on the scoring server;
editing this copy changes nothing except your own understanding.
"""

import jax, jax.numpy as jnp
import numpy as np

N_DATA = 4096
N_NEIGH = 25
NODES = N_NEIGH + 1
D_FEAT = 126
IN_DIM = D_FEAT + 2
H0, H1 = 48, 60
OUT_DIM = 1
BATCH = 1024


def _build_graphs(seed=0):
    # Mirrors KCN.__init__: KNN over coords, RBF kernel ego-graphs, node feats = [features, y(center masked to 0), indicator]
    rng = np.random.RandomState(seed)
    coords = rng.randn(N_DATA, 2).astype(np.float32)
    feats = rng.randn(N_DATA, D_FEAT).astype(np.float32)
    y = rng.randn(N_DATA, OUT_DIM).astype(np.float32)
    sq = (coords ** 2).sum(-1)
    d2 = sq[:, None] + sq[None, :] - 2.0 * (coords @ coords.T)
    d2 = np.maximum(d2, 0.0)
    np.fill_diagonal(d2, np.inf)
    nbrs = np.argpartition(d2, N_NEIGH, axis=1)[:, :N_NEIGH]
    nd = np.take_along_axis(d2, nbrs, axis=1)
    order = np.argsort(nd, axis=1)
    nbrs = np.take_along_axis(nbrs, order, axis=1)
    dists = np.sqrt(np.take_along_axis(d2, nbrs, axis=1))
    length_scale = float(np.median(dists.flatten()))
    gamma = 1.0 / (2.0 * length_scale ** 2)
    idx_full = np.concatenate([np.arange(N_DATA)[:, None], nbrs], axis=1)  # [N, 26] center first
    gf = feats[idx_full]                              # [N, 26, 126]
    gy = y[idx_full].copy()                           # [N, 26, 1]
    gy[:, 0, :] = 0.0                                 # center label zeroed
    ind = np.zeros((N_DATA, NODES, 1), np.float32)
    ind[:, 0, 0] = 1.0
    graph_x = np.concatenate([gf, gy, ind], axis=-1).astype(np.float32)  # [N, 26, 128]
    gc = coords[idx_full]                             # [N, 26, 2]
    diff2 = ((gc[:, :, None, :] - gc[:, None, :, :]) ** 2).sum(-1)
    kernel = np.exp(-gamma * diff2).astype(np.float32)  # [N, 26, 26], diag == 1 (self loops present)
    return graph_x, kernel


def setup_inputs(seed: int = 0) -> dict:
    key = jax.random.key(seed)
    k1, k2, k3, k4 = jax.random.split(key, 4)
    graph_x, kernel = _build_graphs()
    indices = jax.random.randint(k1, (BATCH,), 0, N_DATA)
    W0 = jax.random.normal(k2, (IN_DIM, H0), jnp.float32) * np.sqrt(2.0 / (IN_DIM + H0))
    W1 = jax.random.normal(k3, (H0, H1), jnp.float32) * np.sqrt(2.0 / (H0 + H1))
    Wlin = jax.random.normal(k4, (H1, OUT_DIM), jnp.float32) * np.sqrt(1.0 / H1)
    return {"indices": indices, "graph_x": jnp.asarray(graph_x), "kernel": jnp.asarray(kernel),
            "W0": W0, "W1": W1, "Wlin": Wlin}


def _gcn_layer(x, src, dst, norm, W, n_nodes):
    # GCNConv(bias=False): x' = scatter_add(norm * (xW)[src] -> dst)
    h = x @ W
    msg = norm[:, None] * jnp.take(h, src, axis=0)
    return jax.ops.segment_sum(msg, dst, num_segments=n_nodes)


def reference(indices, graph_x, kernel, W0, W1, Wlin):
    B = indices.shape[0]
    n_nodes = B * NODES
    x = jnp.take(graph_x, indices, axis=0).reshape(n_nodes, IN_DIM)
    w = jnp.take(kernel, indices, axis=0).reshape(-1)  # [B*26*26], row-major == adj.nonzero order
    row = jnp.repeat(jnp.arange(NODES), NODES)
    col = jnp.tile(jnp.arange(NODES), NODES)
    off = (jnp.arange(B) * NODES)[:, None]
    src = (row[None, :] + off).reshape(-1)
    dst = (col[None, :] + off).reshape(-1)
    # gcn_norm: self loops already present with weight 1 (kernel diag), so add_remaining_self_loops is a no-op
    deg = jax.ops.segment_sum(w, dst, num_segments=n_nodes)
    dinv = jax.lax.rsqrt(deg)
    norm = jnp.take(dinv, src) * w * jnp.take(dinv, dst)
    h = jax.nn.relu(_gcn_layer(x, src, dst, norm, W0, n_nodes))   # dropout: eval mode identity
    h = jax.nn.relu(_gcn_layer(h, src, dst, norm, W1, n_nodes))
    out = h.reshape(B, NODES, H1)
    center = out[:, 0]
    pred = jax.nn.relu(center @ Wlin)
    return pred

if __name__ == "__main__":
    import jax
    _d = setup_inputs()
    print(jax.jit(kernel)(*tuple(_d.values())))

</pallas_src>

<mosaic_0001>
#map = affine_map<(d0, d1) -> (0, 0)>
#map1 = affine_map<(d0, d1) -> (0)>
module attributes {stable_mosaic.version = 14 : i64} {
  func.func @gather_kernel(%arg0: i32, %arg1: i32, %arg2: memref<106496x128xf32, #tpu.memory_space<hbm>>, %arg3: memref<26624xi32, #tpu.memory_space<hbm>>, %arg4: memref<26624x128xf32, #tpu.memory_space<hbm>>, %arg5: memref<416xi32, #tpu.memory_space<vmem>>, %arg6: memref<416xi32, #tpu.memory_space<vmem>>, %arg7: memref<416x128xf32, #tpu.memory_space<vmem>>, %arg8: memref<416x128xf32, #tpu.memory_space<vmem>>, %arg9: memref<!tpu.dma_semaphore, #tpu.memory_space<semaphore_mem>>, %arg10: memref<!tpu.dma_semaphore, #tpu.memory_space<semaphore_mem>>, %arg11: memref<!tpu.dma_semaphore, #tpu.memory_space<semaphore_mem>>, %arg12: memref<!tpu.dma_semaphore, #tpu.memory_space<semaphore_mem>>) attributes {dimension_semantics = [#tpu.dimension_semantics<core_parallel>, #tpu.dimension_semantics<subcore_parallel>], iteration_bounds = array<i64: 2, 16>, scalar_prefetch = 0 : i64, scratch_operands = 8 : i64, tpu.core_type = #tpu.core_type<sc_vector_subcore>, window_params = [{transform_indices = #map}, {transform_indices = #map1}, {transform_indices = #map}]} {
    %mul3A = arith.constant 2 : i32
    %mul3A_0 = arith.muli %arg1, %mul3A : i32
    %add3A = arith.addi %mul3A_0, %arg0 : i32
    %mul3A_1 = arith.constant 832 : i32
    %mul3A_2 = arith.muli %add3A, %mul3A_1 : i32
    %add3A_3 = arith.constant 0 : i32
    %add3A_4 = arith.addi %mul3A_2, %add3A_3 : i32
    "tpu.region"() ({
      %run_scoped3A = tpu.sem_alloc : memref<!tpu.dma_semaphore, #tpu.memory_space<semaphore_mem>>
      %dma_start3A_37 = tpu.memref_slice %arg3[%add3A_4] : memref<26624xi32, #tpu.memory_space<hbm>> -> memref<416xi32, #tpu.memory_space<hbm>>
      %dma_start3A_38 = tpu.memref_slice %arg3[%add3A_4] : memref<26624xi32, #tpu.memory_space<hbm>> -> memref<416xi32, #tpu.memory_space<hbm>>
      tpu.enqueue_dma source(%dma_start3A_38 : memref<416xi32, #tpu.memory_space<hbm>>) target(%arg5 : memref<416xi32, #tpu.memory_space<vmem>>) target_semaphore(%run_scoped3A : memref<!tpu.dma_semaphore, #tpu.memory_space<semaphore_mem>>)
      %dma_wait3A_39 = tpu.memref_slice %arg3[%add3A_4] : memref<26624xi32, #tpu.memory_space<hbm>> -> memref<416xi32, #tpu.memory_space<hbm>>
      %dma_wait3A_40 = tpu.memref_slice %arg3[%add3A_4] : memref<26624xi32, #tpu.memory_space<hbm>> -> memref<416xi32, #tpu.memory_space<hbm>>
      tpu.wait_dma2 semaphore(%run_scoped3A : memref<!tpu.dma_semaphore, #tpu.memory_space<semaphore_mem>>) src(%dma_wait3A_40 : memref<416xi32, #tpu.memory_space<hbm>>) dst(%arg5 : memref<416xi32, #tpu.memory_space<vmem>>)
      tpu.yield
    }) : () -> ()
    %dma_start3A = arith.constant 0 : i32
    %dma_start3A_5 = arith.constant 0 : i32
    %dma_start3A_6 = tpu.memref_slice %arg2[%dma_start3A, %dma_start3A_5] : memref<106496x128xf32, #tpu.memory_space<hbm>> -> memref<106496x128xf32, #tpu.memory_space<hbm>>
    tpu.enqueue_indirect_dma source(%dma_start3A_6 : memref<106496x128xf32, #tpu.memory_space<hbm>>) target(%arg7 : memref<416x128xf32, #tpu.memory_space<vmem>>) offsets(%arg5 : memref<416xi32, #tpu.memory_space<vmem>>) semaphore(%arg9 : memref<!tpu.dma_semaphore, #tpu.memory_space<semaphore_mem>>)
    %add3A_7 = arith.constant 416 : i32
    %add3A_8 = arith.addi %mul3A_2, %add3A_7 : i32
    "tpu.region"() ({
      %run_scoped3A = tpu.sem_alloc : memref<!tpu.dma_semaphore, #tpu.memory_space<semaphore_mem>>
      %dma_start3A_37 = tpu.memref_slice %arg3[%add3A_8] : memref<26624xi32, #tpu.memory_space<hbm>> -> memref<416xi32, #tpu.memory_space<hbm>>
      %dma_start3A_38 = tpu.memref_slice %arg3[%add3A_8] : memref<26624xi32, #tpu.memory_space<hbm>> -> memref<416xi32, #tpu.memory_space<hbm>>
      tpu.enqueue_dma source(%dma_start3A_38 : memref<416xi32, #tpu.memory_space<hbm>>) target(%arg6 : memref<416xi32, #tpu.memory_space<vmem>>) target_semaphore(%run_scoped3A : memref<!tpu.dma_semaphore, #tpu.memory_space<semaphore_mem>>)
      %dma_wait3A_39 = tpu.memref_slice %arg3[%add3A_8] : memref<26624xi32, #tpu.memory_space<hbm>> -> memref<416xi32, #tpu.memory_space<hbm>>
      %dma_wait3A_40 = tpu.memref_slice %arg3[%add3A_8] : memref<26624xi32, #tpu.memory_space<hbm>> -> memref<416xi32, #tpu.memory_space<hbm>>
      tpu.wait_dma2 semaphore(%run_scoped3A : memref<!tpu.dma_semaphore, #tpu.memory_space<semaphore_mem>>) src(%dma_wait3A_40 : memref<416xi32, #tpu.memory_space<hbm>>) dst(%arg6 : memref<416xi32, #tpu.memory_space<vmem>>)
      tpu.yield
    }) : () -> ()
    %dma_start3A_9 = arith.constant 0 : i32
    %dma_start3A_10 = arith.constant 0 : i32
    %dma_start3A_11 = tpu.memref_slice %arg2[%dma_start3A_9, %dma_start3A_10] : memref<106496x128xf32, #tpu.memory_space<hbm>> -> memref<106496x128xf32, #tpu.memory_space<hbm>>
    tpu.enqueue_indirect_dma source(%dma_start3A_11 : memref<106496x128xf32, #tpu.memory_space<hbm>>) target(%arg8 : memref<416x128xf32, #tpu.memory_space<vmem>>) offsets(%arg6 : memref<416xi32, #tpu.memory_space<vmem>>) semaphore(%arg10 : memref<!tpu.dma_semaphore, #tpu.memory_space<semaphore_mem>>)
    %dma_wait3A = arith.constant 0 : i32
    %dma_wait3A_12 = arith.constant 0 : i32
    %dma_wait3A_13 = tpu.memref_slice %arg2[%dma_wait3A, %dma_wait3A_12] : memref<106496x128xf32, #tpu.memory_space<hbm>> -> memref<106496x128xf32, #tpu.memory_space<hbm>>
    tpu.wait_indirect_dma semaphore(%arg9 : memref<!tpu.dma_semaphore, #tpu.memory_space<semaphore_mem>>) src(%dma_wait3A_13 : memref<106496x128xf32, #tpu.memory_space<hbm>>) dst(%arg7 : memref<416x128xf32, #tpu.memory_space<vmem>>)
    %add3A_14 = arith.constant 0 : i32
    %add3A_15 = arith.addi %mul3A_2, %add3A_14 : i32
    %dma_start3A_16 = arith.constant 0 : i32
    %dma_start3A_17 = tpu.memref_slice %arg4[%add3A_15, %dma_start3A_16] : memref<26624x128xf32, #tpu.memory_space<hbm>> -> memref<416x128xf32, #tpu.memory_space<hbm>>
    %dma_start3A_18 = arith.constant 0 : i32
    %dma_start3A_19 = tpu.memref_slice %arg4[%add3A_15, %dma_start3A_18] : memref<26624x128xf32, #tpu.memory_space<hbm>> -> memref<416x128xf32, #tpu.memory_space<hbm>>
    tpu.enqueue_dma source(%arg7 : memref<416x128xf32, #tpu.memory_space<vmem>>) target(%dma_start3A_19 : memref<416x128xf32, #tpu.memory_space<hbm>>) target_semaphore(%arg11 : memref<!tpu.dma_semaphore, #tpu.memory_space<semaphore_mem>>)
    %dma_wait3A_20 = arith.constant 0 : i32
    %dma_wait3A_21 = arith.constant 0 : i32
    %dma_wait3A_22 = tpu.memref_slice %arg2[%dma_wait3A_20, %dma_wait3A_21] : memref<106496x128xf32, #tpu.memory_space<hbm>> -> memref<106496x128xf32, #tpu.memory_space<hbm>>
    tpu.wait_indirect_dma semaphore(%arg10 : memref<!tpu.dma_semaphore, #tpu.memory_space<semaphore_mem>>) src(%dma_wait3A_22 : memref<106496x128xf32, #tpu.memory_space<hbm>>) dst(%arg8 : memref<416x128xf32, #tpu.memory_space<vmem>>)
    %add3A_23 = arith.constant 416 : i32
    %add3A_24 = arith.addi %mul3A_2, %add3A_23 : i32
    %dma_start3A_25 = arith.constant 0 : i32
    %dma_start3A_26 = tpu.memref_slice %arg4[%add3A_24, %dma_start3A_25] : memref<26624x128xf32, #tpu.memory_space<hbm>> -> memref<416x128xf32, #tpu.memory_space<hbm>>
    %dma_start3A_27 = arith.constant 0 : i32
    %dma_start3A_28 = tpu.memref_slice %arg4[%add3A_24, %dma_start3A_27] : memref<26624x128xf32, #tpu.memory_space<hbm>> -> memref<416x128xf32, #tpu.memory_space<hbm>>
    tpu.enqueue_dma source(%arg8 : memref<416x128xf32, #tpu.memory_space<vmem>>) target(%dma_start3A_28 : memref<416x128xf32, #tpu.memory_space<hbm>>) target_semaphore(%arg12 : memref<!tpu.dma_semaphore, #tpu.memory_space<semaphore_mem>>)
    %dma_wait3A_29 = arith.constant 0 : i32
    %dma_wait3A_30 = tpu.memref_slice %arg4[%add3A_15, %dma_wait3A_29] : memref<26624x128xf32, #tpu.memory_space<hbm>> -> memref<416x128xf32, #tpu.memory_space<hbm>>
    %dma_wait3A_31 = arith.constant 0 : i32
    %dma_wait3A_32 = tpu.memref_slice %arg4[%add3A_15, %dma_wait3A_31] : memref<26624x128xf32, #tpu.memory_space<hbm>> -> memref<416x128xf32, #tpu.memory_space<hbm>>
    tpu.wait_dma2 semaphore(%arg11 : memref<!tpu.dma_semaphore, #tpu.memory_space<semaphore_mem>>) src(%arg7 : memref<416x128xf32, #tpu.memory_space<vmem>>) dst(%dma_wait3A_32 : memref<416x128xf32, #tpu.memory_space<hbm>>)
    %dma_wait3A_33 = arith.constant 0 : i32
    %dma_wait3A_34 = tpu.memref_slice %arg4[%add3A_24, %dma_wait3A_33] : memref<26624x128xf32, #tpu.memory_space<hbm>> -> memref<416x128xf32, #tpu.memory_space<hbm>>
    %dma_wait3A_35 = arith.constant 0 : i32
    %dma_wait3A_36 = tpu.memref_slice %arg4[%add3A_24, %dma_wait3A_35] : memref<26624x128xf32, #tpu.memory_space<hbm>> -> memref<416x128xf32, #tpu.memory_space<hbm>>
    tpu.wait_dma2 semaphore(%arg12 : memref<!tpu.dma_semaphore, #tpu.memory_space<semaphore_mem>>) src(%arg8 : memref<416x128xf32, #tpu.memory_space<vmem>>) dst(%dma_wait3A_36 : memref<416x128xf32, #tpu.memory_space<hbm>>)
    return
  }
}

#map = affine_map<(d0, d1) -> (0, 0)>
#map1 = affine_map<(d0, d1) -> (0)>
module attributes {stable_mosaic.version = 14 : i64} {
  func.func @gather_kernel(%arg0: i32, %arg1: i32, %arg2: memref<106496x128xf32, #tpu.memory_space<hbm>>, %arg3: memref<26624xi32, #tpu.memory_space<hbm>>, %arg4: memref<26624x128xf32, #tpu.memory_space<hbm>>, %arg5: memref<416xi32, #tpu.memory_space<vmem>>, %arg6: memref<416xi32, #tpu.memory_space<vmem>>, %arg7: memref<416x128xf32, #tpu.memory_space<vmem>>, %arg8: memref<416x128xf32, #tpu.memory_space<vmem>>, %arg9: memref<!tpu.dma_semaphore, #tpu.memory_space<semaphore_mem>>, %arg10: memref<!tpu.dma_semaphore, #tpu.memory_space<semaphore_mem>>, %arg11: memref<!tpu.dma_semaphore, #tpu.memory_space<semaphore_mem>>, %arg12: memref<!tpu.dma_semaphore, #tpu.memory_space<semaphore_mem>>) attributes {dimension_semantics = [#tpu.dimension_semantics<core_parallel>, #tpu.dimension_semantics<subcore_parallel>], iteration_bounds = array<i64: 2, 16>, scalar_prefetch = 0 : i64, scratch_operands = 8 : i64, tpu.core_type = #tpu.core_type<sc_vector_subcore>, window_params = [{transform_indices = #map}, {transform_indices = #map1}, {transform_indices = #map}]} {
    %mul3A = arith.constant 2 : i32
    %mul3A_0 = arith.muli %arg1, %mul3A : i32
    %add3A = arith.addi %mul3A_0, %arg0 : i32
    %mul3A_1 = arith.constant 832 : i32
    %mul3A_2 = arith.muli %add3A, %mul3A_1 : i32
    %add3A_3 = arith.constant 0 : i32
    %add3A_4 = arith.addi %mul3A_2, %add3A_3 : i32
    "tpu.region"() ({
      %run_scoped3A = tpu.sem_alloc : memref<!tpu.dma_semaphore, #tpu.memory_space<semaphore_mem>>
      %dma_start3A_37 = tpu.memref_slice %arg3[%add3A_4] : memref<26624xi32, #tpu.memory_space<hbm>> -> memref<416xi32, #tpu.memory_space<hbm>>
      %dma_start3A_38 = tpu.memref_slice %arg3[%add3A_4] : memref<26624xi32, #tpu.memory_space<hbm>> -> memref<416xi32, #tpu.memory_space<hbm>>
      tpu.enqueue_dma source(%dma_start3A_38 : memref<416xi32, #tpu.memory_space<hbm>>) target(%arg5 : memref<416xi32, #tpu.memory_space<vmem>>) target_semaphore(%run_scoped3A : memref<!tpu.dma_semaphore, #tpu.memory_space<semaphore_mem>>)
      %dma_wait3A_39 = tpu.memref_slice %arg3[%add3A_4] : memref<26624xi32, #tpu.memory_space<hbm>> -> memref<416xi32, #tpu.memory_space<hbm>>
      %dma_wait3A_40 = tpu.memref_slice %arg3[%add3A_4] : memref<26624xi32, #tpu.memory_space<hbm>> -> memref<416xi32, #tpu.memory_space<hbm>>
      tpu.wait_dma2 semaphore(%run_scoped3A : memref<!tpu.dma_semaphore, #tpu.memory_space<semaphore_mem>>) src(%dma_wait3A_40 : memref<416xi32, #tpu.memory_space<hbm>>) dst(%arg5 : memref<416xi32, #tpu.memory_space<vmem>>)
      tpu.yield
    }) : () -> ()
    %dma_start3A = arith.constant 0 : i32
    %dma_start3A_5 = arith.constant 0 : i32
    %dma_start3A_6 = tpu.memref_slice %arg2[%dma_start3A, %dma_start3A_5] : memref<106496x128xf32, #tpu.memory_space<hbm>> -> memref<106496x128xf32, #tpu.memory_space<hbm>>
    tpu.enqueue_indirect_dma source(%dma_start3A_6 : memref<106496x128xf32, #tpu.memory_space<hbm>>) target(%arg7 : memref<416x128xf32, #tpu.memory_space<vmem>>) offsets(%arg5 : memref<416xi32, #tpu.memory_space<vmem>>) semaphore(%arg9 : memref<!tpu.dma_semaphore, #tpu.memory_space<semaphore_mem>>)
    %add3A_7 = arith.constant 416 : i32
    %add3A_8 = arith.addi %mul3A_2, %add3A_7 : i32
    "tpu.region"() ({
      %run_scoped3A = tpu.sem_alloc : memref<!tpu.dma_semaphore, #tpu.memory_space<semaphore_mem>>
      %dma_start3A_37 = tpu.memref_slice %arg3[%add3A_8] : memref<26624xi32, #tpu.memory_space<hbm>> -> memref<416xi32, #tpu.memory_space<hbm>>
      %dma_start3A_38 = tpu.memref_slice %arg3[%add3A_8] : memref<26624xi32, #tpu.memory_space<hbm>> -> memref<416xi32, #tpu.memory_space<hbm>>
      tpu.enqueue_dma source(%dma_start3A_38 : memref<416xi32, #tpu.memory_space<hbm>>) target(%arg6 : memref<416xi32, #tpu.memory_space<vmem>>) target_semaphore(%run_scoped3A : memref<!tpu.dma_semaphore, #tpu.memory_space<semaphore_mem>>)
      %dma_wait3A_39 = tpu.memref_slice %arg3[%add3A_8] : memref<26624xi32, #tpu.memory_space<hbm>> -> memref<416xi32, #tpu.memory_space<hbm>>
      %dma_wait3A_40 = tpu.memref_slice %arg3[%add3A_8] : memref<26624xi32, #tpu.memory_space<hbm>> -> memref<416xi32, #tpu.memory_space<hbm>>
      tpu.wait_dma2 semaphore(%run_scoped3A : memref<!tpu.dma_semaphore, #tpu.memory_space<semaphore_mem>>) src(%dma_wait3A_40 : memref<416xi32, #tpu.memory_space<hbm>>) dst(%arg6 : memref<416xi32, #tpu.memory_space<vmem>>)
      tpu.yield
    }) : () -> ()
    %dma_start3A_9 = arith.constant 0 : i32
    %dma_start3A_10 = arith.constant 0 : i32
    %dma_start3A_11 = tpu.memref_slice %arg2[%dma_start3A_9, %dma_start3A_10] : memref<106496x128xf32, #tpu.memory_space<hbm>> -> memref<106496x128xf32, #tpu.memory_space<hbm>>
    tpu.enqueue_indirect_dma source(%dma_start3A_11 : memref<106496x128xf32, #tpu.memory_space<hbm>>) target(%arg8 : memref<416x128xf32, #tpu.memory_space<vmem>>) offsets(%arg6 : memref<416xi32, #tpu.memory_space<vmem>>) semaphore(%arg10 : memref<!tpu.dma_semaphore, #tpu.memory_space<semaphore_mem>>)
    %dma_wait3A = arith.constant 0 : i32
    %dma_wait3A_12 = arith.constant 0 : i32
    %dma_wait3A_13 = tpu.memref_slice %arg2[%dma_wait3A, %dma_wait3A_12] : memref<106496x128xf32, #tpu.memory_space<hbm>> -> memref<106496x128xf32, #tpu.memory_space<hbm>>
    tpu.wait_indirect_dma semaphore(%arg9 : memref<!tpu.dma_semaphore, #tpu.memory_space<semaphore_mem>>) src(%dma_wait3A_13 : memref<106496x128xf32, #tpu.memory_space<hbm>>) dst(%arg7 : memref<416x128xf32, #tpu.memory_space<vmem>>)
    %add3A_14 = arith.constant 0 : i32
    %add3A_15 = arith.addi %mul3A_2, %add3A_14 : i32
    %dma_start3A_16 = arith.constant 0 : i32
    %dma_start3A_17 = tpu.memref_slice %arg4[%add3A_15, %dma_start3A_16] : memref<26624x128xf32, #tpu.memory_space<hbm>> -> memref<416x128xf32, #tpu.memory_space<hbm>>
    %dma_start3A_18 = arith.constant 0 : i32
    %dma_start3A_19 = tpu.memref_slice %arg4[%add3A_15, %dma_start3A_18] : memref<26624x128xf32, #tpu.memory_space<hbm>> -> memref<416x128xf32, #tpu.memory_space<hbm>>
    tpu.enqueue_dma source(%arg7 : memref<416x128xf32, #tpu.memory_space<vmem>>) target(%dma_start3A_19 : memref<416x128xf32, #tpu.memory_space<hbm>>) target_semaphore(%arg11 : memref<!tpu.dma_semaphore, #tpu.memory_space<semaphore_mem>>)
    %dma_wait3A_20 = arith.constant 0 : i32
    %dma_wait3A_21 = arith.constant 0 : i32
    %dma_wait3A_22 = tpu.memref_slice %arg2[%dma_wait3A_20, %dma_wait3A_21] : memref<106496x128xf32, #tpu.memory_space<hbm>> -> memref<106496x128xf32, #tpu.memory_space<hbm>>
    tpu.wait_indirect_dma semaphore(%arg10 : memref<!tpu.dma_semaphore, #tpu.memory_space<semaphore_mem>>) src(%dma_wait3A_22 : memref<106496x128xf32, #tpu.memory_space<hbm>>) dst(%arg8 : memref<416x128xf32, #tpu.memory_space<vmem>>)
    %add3A_23 = arith.constant 416 : i32
    %add3A_24 = arith.addi %mul3A_2, %add3A_23 : i32
    %dma_start3A_25 = arith.constant 0 : i32
    %dma_start3A_26 = tpu.memref_slice %arg4[%add3A_24, %dma_start3A_25] : memref<26624x128xf32, #tpu.memory_space<hbm>> -> memref<416x128xf32, #tpu.memory_space<hbm>>
    %dma_start3A_27 = arith.constant 0 : i32
    %dma_start3A_28 = tpu.memref_slice %arg4[%add3A_24, %dma_start3A_27] : memref<26624x128xf32, #tpu.memory_space<hbm>> -> memref<416x128xf32, #tpu.memory_space<hbm>>
    tpu.enqueue_dma source(%arg8 : memref<416x128xf32, #tpu.memory_space<vmem>>) target(%dma_start3A_28 : memref<416x128xf32, #tpu.memory_space<hbm>>) target_semaphore(%arg12 : memref<!tpu.dma_semaphore, #tpu.memory_space<semaphore_mem>>)
    %dma_wait3A_29 = arith.constant 0 : i32
    %dma_wait3A_30 = tpu.memref_slice %arg4[%add3A_15, %dma_wait3A_29] : memref<26624x128xf32, #tpu.memory_space<hbm>> -> memref<416x128xf32, #tpu.memory_space<hbm>>
    %dma_wait3A_31 = arith.constant 0 : i32
    %dma_wait3A_32 = tpu.memref_slice %arg4[%add3A_15, %dma_wait3A_31] : memref<26624x128xf32, #tpu.memory_space<hbm>> -> memref<416x128xf32, #tpu.memory_space<hbm>>
    tpu.wait_dma2 semaphore(%arg11 : memref<!tpu.dma_semaphore, #tpu.memory_space<semaphore_mem>>) src(%arg7 : memref<416x128xf32, #tpu.memory_space<vmem>>) dst(%dma_wait3A_32 : memref<416x128xf32, #tpu.memory_space<hbm>>)
    %dma_wait3A_33 = arith.constant 0 : i32
    %dma_wait3A_34 = tpu.memref_slice %arg4[%add3A_24, %dma_wait3A_33] : memref<26624x128xf32, #tpu.memory_space<hbm>> -> memref<416x128xf32, #tpu.memory_space<hbm>>
    %dma_wait3A_35 = arith.constant 0 : i32
    %dma_wait3A_36 = tpu.memref_slice %arg4[%add3A_24, %dma_wait3A_35] : memref<26624x128xf32, #tpu.memory_space<hbm>> -> memref<416x128xf32, #tpu.memory_space<hbm>>
    tpu.wait_dma2 semaphore(%arg12 : memref<!tpu.dma_semaphore, #tpu.memory_space<semaphore_mem>>) src(%arg8 : memref<416x128xf32, #tpu.memory_space<vmem>>) dst(%dma_wait3A_36 : memref<416x128xf32, #tpu.memory_space<hbm>>)
    return
  }
}

module attributes {stable_mosaic.version = 14 : i64} {
  func.func @_tc_body(%arg0: i32, %arg1: memref<1664x128xf32, #tpu.memory_space<vmem>>, %arg2: memref<1664x128xf32, #tpu.memory_space<vmem>>, %arg3: memref<128x48xf32, #tpu.memory_space<vmem>>, %arg4: memref<48x60xf32, #tpu.memory_space<vmem>>, %arg5: memref<60x1xf32, #tpu.memory_space<vmem>>, %arg6: memref<64x1xf32, #tpu.memory_space<vmem>>, %arg7: memref<64x1664xf32, #tpu.memory_space<vmem>>, %arg8: memref<26x416xf32, #tpu.memory_space<vmem>>, %arg9: memref<416x416xf32, #tpu.memory_space<vmem>>) attributes {dimension_semantics = [#tpu.dimension_semantics<arbitrary>], iteration_bounds = array<i64: 16>, scalar_prefetch = 0 : i64, scratch_operands = 3 : i64, tpu.core_type = #tpu.core_type<tc>, window_params = [{transform_indices = @transform_0, window_bounds = array<i64: 1664, 128>}, {transform_indices = @transform_1, window_bounds = array<i64: 1664, 128>}, {pipeline_mode = #tpu.pipeline_mode<synchronous>, transform_indices = @transform_2, window_bounds = array<i64: 128, 48>}, {pipeline_mode = #tpu.pipeline_mode<synchronous>, transform_indices = @transform_3, window_bounds = array<i64: 48, 60>}, {pipeline_mode = #tpu.pipeline_mode<synchronous>, transform_indices = @transform_4, window_bounds = array<i64: 60, 1>}, {transform_indices = @transform_5, window_bounds = array<i64: 64, 1>}]} {
    %eq3A = arith.constant 0 : i32
    %eq3A_0 = arith.cmpi eq, %arg0, %eq3A : i32
    %convert_element_type3A = arith.extui %eq3A_0 : i1 to i32
    %cond3A = arith.constant 0 : i32
    %cond3A_1 = arith.cmpi ne, %convert_element_type3A, %cond3A : i32
    scf.if %cond3A_1 {
      %iota3A = tpu.iota {dimensions = array<i32: 0>} : vector<64x1664xi32>
      %mul3A_90 = arith.constant 26 : i32
      %mul3A_91 = vector.broadcast %mul3A_90 : i32 to vector<64x1664xi32>
      %mul3A_92 = arith.muli %iota3A, %mul3A_91 : vector<64x1664xi32>
      %iota3A_93 = tpu.iota {dimensions = array<i32: 1>} : vector<64x1664xi32>
      %ge3A = arith.cmpi sge, %iota3A_93, %mul3A_92 : vector<64x1664xi32>
      %add3A = arith.constant 26 : i32
      %add3A_94 = vector.broadcast %add3A : i32 to vector<64x1664xi32>
      %add3A_95 = arith.addi %mul3A_92, %add3A_94 : vector<64x1664xi32>
      %lt3A = arith.cmpi slt, %iota3A_93, %add3A_95 : vector<64x1664xi32>
      %and3A = arith.andi %ge3A, %lt3A : vector<64x1664xi1>
      %convert_element_type3A_96 = arith.extui %and3A : vector<64x1664xi1> to vector<64x1664xi32>
      %convert_element_type3A_97 = arith.sitofp %convert_element_type3A_96 : vector<64x1664xi32> to vector<64x1664xf32>
      %swap3A_98 = arith.constant 0 : index
      %swap3A_99 = arith.constant 0 : index
      %swap3A_100 = vector.load %arg7[%swap3A_98, %swap3A_99] : memref<64x1664xf32, #tpu.memory_space<vmem>>, vector<64x1664xf32>
      tpu.vector_store %arg7[%swap3A_98, %swap3A_99], %convert_element_type3A_97 {strides = array<i32>} : memref<64x1664xf32, #tpu.memory_space<vmem>>, vector<64x1664xf32>,
      %iota3A_101 = tpu.iota {dimensions = array<i32: 0>} : vector<26x26xi32>
      %iota3A_102 = tpu.iota {dimensions = array<i32: 1>} : vector<26x26xi32>
      %eq3A_103 = arith.cmpi eq, %iota3A_101, %iota3A_102 : vector<26x26xi32>
      %convert_element_type3A_104 = arith.extui %eq3A_103 : vector<26x26xi1> to vector<26x26xi32>
      %convert_element_type3A_105 = arith.sitofp %convert_element_type3A_104 : vector<26x26xi32> to vector<26x26xf32>
      %swap3A_106 = arith.constant 0 : index
      %swap3A_107 = arith.constant 0 : index
      %swap3A_108 = vector.load %arg8[%swap3A_106, %swap3A_107] : memref<26x416xf32, #tpu.memory_space<vmem>>, vector<26x26xf32>
      tpu.vector_store %arg8[%swap3A_106, %swap3A_107], %convert_element_type3A_105 {strides = array<i32>} : memref<26x416xf32, #tpu.memory_space<vmem>>, vector<26x26xf32>,
      %swap3A_109 = arith.constant 0 : index
      %swap3A_110 = arith.constant 26 : index
      %swap3A_111 = vector.load %arg8[%swap3A_109, %swap3A_110] : memref<26x416xf32, #tpu.memory_space<vmem>>, vector<26x26xf32>
      tpu.vector_store %arg8[%swap3A_109, %swap3A_110], %convert_element_type3A_105 {strides = array<i32>} : memref<26x416xf32, #tpu.memory_space<vmem>>, vector<26x26xf32>,
      %swap3A_112 = arith.constant 0 : index
      %swap3A_113 = arith.constant 52 : index
      %swap3A_114 = vector.load %arg8[%swap3A_112, %swap3A_113] : memref<26x416xf32, #tpu.memory_space<vmem>>, vector<26x26xf32>
      tpu.vector_store %arg8[%swap3A_112, %swap3A_113], %convert_element_type3A_105 {strides = array<i32>} : memref<26x416xf32, #tpu.memory_space<vmem>>, vector<26x26xf32>,
      %swap3A_115 = arith.constant 0 : index
      %swap3A_116 = arith.constant 78 : index
      %swap3A_117 = vector.load %arg8[%swap3A_115, %swap3A_116] : memref<26x416xf32, #tpu.memory_space<vmem>>, vector<26x26xf32>
      tpu.vector_store %arg8[%swap3A_115, %swap3A_116], %convert_element_type3A_105 {strides = array<i32>} : memref<26x416xf32, #tpu.memory_space<vmem>>, vector<26x26xf32>,
      %swap3A_118 = arith.constant 0 : index
      %swap3A_119 = arith.constant 104 : index
      %swap3A_120 = vector.load %arg8[%swap3A_118, %swap3A_119] : memref<26x416xf32, #tpu.memory_space<vmem>>, vector<26x26xf32>
      tpu.vector_store %arg8[%swap3A_118, %swap3A_119], %convert_element_type3A_105 {strides = array<i32>} : memref<26x416xf32, #tpu.memory_space<vmem>>, vector<26x26xf32>,
      %swap3A_121 = arith.constant 0 : index
      %swap3A_122 = arith.constant 130 : index
      %swap3A_123 = vector.load %arg8[%swap3A_121, %swap3A_122] : memref<26x416xf32, #tpu.memory_space<vmem>>, vector<26x26xf32>
      tpu.vector_store %arg8[%swap3A_121, %swap3A_122], %convert_element_type3A_105 {strides = array<i32>} : memref<26x416xf32, #tpu.memory_space<vmem>>, vector<26x26xf32>,
      %swap3A_124 = arith.constant 0 : index
      %swap3A_125 = arith.constant 156 : index
      %swap3A_126 = vector.load %arg8[%swap3A_124, %swap3A_125] : memref<26x416xf32, #tpu.memory_space<vmem>>, vector<26x26xf32>
      tpu.vector_store %arg8[%swap3A_124, %swap3A_125], %convert_element_type3A_105 {strides = array<i32>} : memref<26x416xf32, #tpu.memory_space<vmem>>, vector<26x26xf32>,
      %swap3A_127 = arith.constant 0 : index
      %swap3A_128 = arith.constant 182 : index
      %swap3A_129 = vector.load %arg8[%swap3A_127, %swap3A_128] : memref<26x416xf32, #tpu.memory_space<vmem>>, vector<26x26xf32>
      tpu.vector_store %arg8[%swap3A_127, %swap3A_128], %convert_element_type3A_105 {strides = array<i32>} : memref<26x416xf32, #tpu.memory_space<vmem>>, vector<26x26xf32>,
      %swap3A_130 = arith.constant 0 : index
      %swap3A_131 = arith.constant 208 : index
      %swap3A_132 = vector.load %arg8[%swap3A_130, %swap3A_131] : memref<26x416xf32, #tpu.memory_space<vmem>>, vector<26x26xf32>
      tpu.vector_store %arg8[%swap3A_130, %swap3A_131], %convert_element_type3A_105 {strides = array<i32>} : memref<26x416xf32, #tpu.memory_space<vmem>>, vector<26x26xf32>,
      %swap3A_133 = arith.constant 0 : index
      %swap3A_134 = arith.constant 234 : index
      %swap3A_135 = vector.load %arg8[%swap3A_133, %swap3A_134] : memref<26x416xf32, #tpu.memory_space<vmem>>, vector<26x26xf32>
      tpu.vector_store %arg8[%swap3A_133, %swap3A_134], %convert_element_type3A_105 {strides = array<i32>} : memref<26x416xf32, #tpu.memory_space<vmem>>, vector<26x26xf32>,
      %swap3A_136 = arith.constant 0 : index
      %swap3A_137 = arith.constant 260 : index
      %swap3A_138 = vector.load %arg8[%swap3A_136, %swap3A_137] : memref<26x416xf32, #tpu.memory_space<vmem>>, vector<26x26xf32>
      tpu.vector_store %arg8[%swap3A_136, %swap3A_137], %convert_element_type3A_105 {strides = array<i32>} : memref<26x416xf32, #tpu.memory_space<vmem>>, vector<26x26xf32>,
      %swap3A_139 = arith.constant 0 : index
      %swap3A_140 = arith.constant 286 : index
      %swap3A_141 = vector.load %arg8[%swap3A_139, %swap3A_140] : memref<26x416xf32, #tpu.memory_space<vmem>>, vector<26x26xf32>
      tpu.vector_store %arg8[%swap3A_139, %swap3A_140], %convert_element_type3A_105 {strides = array<i32>} : memref<26x416xf32, #tpu.memory_space<vmem>>, vector<26x26xf32>,
      %swap3A_142 = arith.constant 0 : index
      %swap3A_143 = arith.constant 312 : index
      %swap3A_144 = vector.load %arg8[%swap3A_142, %swap3A_143] : memref<26x416xf32, #tpu.memory_space<vmem>>, vector<26x26xf32>
      tpu.vector_store %arg8[%swap3A_142, %swap3A_143], %convert_element_type3A_105 {strides = array<i32>} : memref<26x416xf32, #tpu.memory_space<vmem>>, vector<26x26xf32>,
      %swap3A_145 = arith.constant 0 : index
      %swap3A_146 = arith.constant 338 : index
      %swap3A_147 = vector.load %arg8[%swap3A_145, %swap3A_146] : memref<26x416xf32, #tpu.memory_space<vmem>>, vector<26x26xf32>
      tpu.vector_store %arg8[%swap3A_145, %swap3A_146], %convert_element_type3A_105 {strides = array<i32>} : memref<26x416xf32, #tpu.memory_space<vmem>>, vector<26x26xf32>,
      %swap3A_148 = arith.constant 0 : index
      %swap3A_149 = arith.constant 364 : index
      %swap3A_150 = vector.load %arg8[%swap3A_148, %swap3A_149] : memref<26x416xf32, #tpu.memory_space<vmem>>, vector<26x26xf32>
      tpu.vector_store %arg8[%swap3A_148, %swap3A_149], %convert_element_type3A_105 {strides = array<i32>} : memref<26x416xf32, #tpu.memory_space<vmem>>, vector<26x26xf32>,
      %swap3A_151 = arith.constant 0 : index
      %swap3A_152 = arith.constant 390 : index
      %swap3A_153 = vector.load %arg8[%swap3A_151, %swap3A_152] : memref<26x416xf32, #tpu.memory_space<vmem>>, vector<26x26xf32>
      tpu.vector_store %arg8[%swap3A_151, %swap3A_152], %convert_element_type3A_105 {strides = array<i32>} : memref<26x416xf32, #tpu.memory_space<vmem>>, vector<26x26xf32>,
      %iota3A_154 = tpu.iota {dimensions = array<i32: 0>} : vector<16x416xi32>
      %mul3A_155 = arith.constant 26 : i32
      %mul3A_156 = vector.broadcast %mul3A_155 : i32 to vector<16x416xi32>
      %mul3A_157 = arith.muli %iota3A_154, %mul3A_156 : vector<16x416xi32>
      %iota3A_158 = tpu.iota {dimensions = array<i32: 1>} : vector<16x416xi32>
      %ge3A_159 = arith.cmpi sge, %iota3A_158, %mul3A_157 : vector<16x416xi32>
      %add3A_160 = arith.constant 26 : i32
      %add3A_161 = vector.broadcast %add3A_160 : i32 to vector<16x416xi32>
      %add3A_162 = arith.addi %mul3A_157, %add3A_161 : vector<16x416xi32>
      %lt3A_163 = arith.cmpi slt, %iota3A_158, %add3A_162 : vector<16x416xi32>
      %and3A_164 = arith.andi %ge3A_159, %lt3A_163 : vector<16x416xi1>
      %convert_element_type3A_165 = arith.extui %and3A_164 : vector<16x416xi1> to vector<16x416xi32>
      %convert_element_type3A_166 = arith.sitofp %convert_element_type3A_165 : vector<16x416xi32> to vector<16x416xf32>
      %dot_general3A_167 = arith.constant dense<0.000000e+00> : vector<416x416xf32>
      %dot_general3A_168 = tpu.matmul %convert_element_type3A_166, %convert_element_type3A_166, %dot_general3A_167 {dimension_numbers = #tpu.dot_dimension_numbers<[0], [0], [1], [1], [0, 1, 1, 1], [], []>, transpose_lhs_hint = false} : vector<16x416xf32>, vector<16x416xf32>, vector<416x416xf32> -> vector<416x416xf32>
      %swap3A_169 = arith.constant 0 : index
      %swap3A_170 = arith.constant 0 : index
      %swap3A_171 = vector.load %arg9[%swap3A_169, %swap3A_170] : memref<416x416xf32, #tpu.memory_space<vmem>>, vector<416x416xf32>
      tpu.vector_store %arg9[%swap3A_169, %swap3A_170], %dot_general3A_168 {strides = array<i32>} : memref<416x416xf32, #tpu.memory_space<vmem>>, vector<416x416xf32>,
    } else {
    }
    %get3A = arith.constant 0 : index
    %get3A_2 = arith.constant 0 : index
    %get3A_3 = vector.load %arg1[%get3A, %get3A_2] : memref<1664x128xf32, #tpu.memory_space<vmem>>, vector<1664x128xf32>
    %get3A_4 = arith.constant 0 : index
    %get3A_5 = arith.constant 0 : index
    %get3A_6 = vector.load %arg2[%get3A_4, %get3A_5] : memref<1664x128xf32, #tpu.memory_space<vmem>>, vector<1664x128xf32>
    %slice3A = vector.extract_strided_slice %get3A_6 {offsets = [0, 0], sizes = [1664, 26], strides = [1, 1]} : vector<1664x128xf32> to vector<1664x26xf32>
    %get3A_7 = arith.constant 0 : index
    %get3A_8 = arith.constant 0 : index
    %get3A_9 = vector.load %arg3[%get3A_7, %get3A_8] : memref<128x48xf32, #tpu.memory_space<vmem>>, vector<128x48xf32>
    %get3A_10 = arith.constant 0 : index
    %get3A_11 = arith.constant 0 : index
    %get3A_12 = vector.load %arg4[%get3A_10, %get3A_11] : memref<48x60xf32, #tpu.memory_space<vmem>>, vector<48x60xf32>
    %get3A_13 = arith.constant 0 : index
    %get3A_14 = arith.constant 0 : index
    %get3A_15 = vector.load %arg5[%get3A_13, %get3A_14] : memref<60x1xf32, #tpu.memory_space<vmem>>, vector<60x1xf32>
    %get3A_16 = arith.constant 0 : index
    %get3A_17 = arith.constant 0 : index
    %get3A_18 = vector.load %arg7[%get3A_16, %get3A_17] : memref<64x1664xf32, #tpu.memory_space<vmem>>, vector<64x1664xf32>
    %get3A_19 = arith.constant 0 : index
    %get3A_20 = arith.constant 0 : index
    %get3A_21 = vector.load %arg8[%get3A_19, %get3A_20] : memref<26x416xf32, #tpu.memory_space<vmem>>, vector<26x416xf32>
    %get3A_22 = arith.constant 0 : index
    %get3A_23 = arith.constant 0 : index
    %get3A_24 = vector.load %arg9[%get3A_22, %get3A_23] : memref<416x416xf32, #tpu.memory_space<vmem>>, vector<416x416xf32>
    %reduce_sum3A = arith.constant dense<0.000000e+00> : vector<1664xf32>
    %reduce_sum3A_25 = vector.multi_reduction <add>, %slice3A, %reduce_sum3A [1] : vector<1664x26xf32> to vector<1664xf32>
    %broadcast_in_dim3A = vector.shape_cast %reduce_sum3A_25 : vector<1664xf32> to vector<1664x1xf32>
    %rsqrt3A = math.rsqrt %broadcast_in_dim3A : vector<1664x1xf32>
    %dot_general3A = arith.constant dense<0.000000e+00> : vector<64x26xf32>
    %dot_general3A_26 = tpu.matmul %get3A_18, %slice3A, %dot_general3A {dimension_numbers = #tpu.dot_dimension_numbers<[1], [0], [0], [1], [0, 0, 1, 1], [], []>, transpose_lhs_hint = false} : vector<64x1664xf32>, vector<1664x26xf32>, vector<64x26xf32> -> vector<64x26xf32>
    %rsqrt3A_27 = math.rsqrt %dot_general3A_26 : vector<64x26xf32>
    %dot_general3A_28 = arith.constant dense<0.000000e+00> : vector<1664x26xf32>
    %dot_general3A_29 = tpu.matmul %get3A_18, %rsqrt3A_27, %dot_general3A_28 {dimension_numbers = #tpu.dot_dimension_numbers<[0], [0], [1], [1], [0, 1, 1, 1], [], []>, transpose_lhs_hint = false} : vector<64x1664xf32>, vector<64x26xf32>, vector<1664x26xf32> -> vector<1664x26xf32>
    %mul3A = vector.broadcast %rsqrt3A : vector<1664x1xf32> to vector<1664x26xf32>
    %mul3A_30 = arith.mulf %slice3A, %mul3A : vector<1664x26xf32>
    %mul3A_31 = arith.mulf %mul3A_30, %dot_general3A_29 : vector<1664x26xf32>
    %dot_general3A_32 = arith.constant dense<0.000000e+00> : vector<1664x48xf32>
    %dot_general3A_33 = tpu.matmul %get3A_3, %get3A_9, %dot_general3A_32 {dimension_numbers = #tpu.dot_dimension_numbers<[1], [0], [0], [1], [0, 0, 1, 1], [], []>, transpose_lhs_hint = false} : vector<1664x128xf32>, vector<128x48xf32>, vector<1664x48xf32> -> vector<1664x48xf32>
    %slice3A_34 = vector.extract_strided_slice %mul3A_31 {offsets = [0, 0], sizes = [416, 26], strides = [1, 1]} : vector<1664x26xf32> to vector<416x26xf32>
    %dot_general3A_35 = arith.constant dense<0.000000e+00> : vector<416x416xf32>
    %dot_general3A_36 = tpu.matmul %slice3A_34, %get3A_21, %dot_general3A_35 {dimension_numbers = #tpu.dot_dimension_numbers<[1], [0], [0], [1], [0, 0, 1, 1], [], []>, transpose_lhs_hint = false} : vector<416x26xf32>, vector<26x416xf32>, vector<416x416xf32> -> vector<416x416xf32>
    %mul3A_37 = arith.mulf %dot_general3A_36, %get3A_24 : vector<416x416xf32>
    %slice3A_38 = vector.extract_strided_slice %dot_general3A_33 {offsets = [0, 0], sizes = [416, 48], strides = [1, 1]} : vector<1664x48xf32> to vector<416x48xf32>
    %dot_general3A_39 = arith.constant dense<0.000000e+00> : vector<416x48xf32>
    %dot_general3A_40 = tpu.matmul %mul3A_37, %slice3A_38, %dot_general3A_39 {dimension_numbers = #tpu.dot_dimension_numbers<[0], [0], [1], [1], [0, 1, 1, 1], [], []>, transpose_lhs_hint = false} : vector<416x416xf32>, vector<416x48xf32>, vector<416x48xf32> -> vector<416x48xf32>
    %max3A = arith.constant 0.000000e+00 : f32
    %max3A_41 = vector.broadcast %max3A : f32 to vector<416x48xf32>
    %max3A_42 = arith.maximumf %dot_general3A_40, %max3A_41 : vector<416x48xf32>
    %slice3A_43 = vector.extract_strided_slice %mul3A_31 {offsets = [416, 0], sizes = [416, 26], strides = [1, 1]} : vector<1664x26xf32> to vector<416x26xf32>
    %dot_general3A_44 = arith.constant dense<0.000000e+00> : vector<416x416xf32>
    %dot_general3A_45 = tpu.matmul %slice3A_43, %get3A_21, %dot_general3A_44 {dimension_numbers = #tpu.dot_dimension_numbers<[1], [0], [0], [1], [0, 0, 1, 1], [], []>, transpose_lhs_hint = false} : vector<416x26xf32>, vector<26x416xf32>, vector<416x416xf32> -> vector<416x416xf32>
    %mul3A_46 = arith.mulf %dot_general3A_45, %get3A_24 : vector<416x416xf32>
    %slice3A_47 = vector.extract_strided_slice %dot_general3A_33 {offsets = [416, 0], sizes = [416, 48], strides = [1, 1]} : vector<1664x48xf32> to vector<416x48xf32>
    %dot_general3A_48 = arith.constant dense<0.000000e+00> : vector<416x48xf32>
    %dot_general3A_49 = tpu.matmul %mul3A_46, %slice3A_47, %dot_general3A_48 {dimension_numbers = #tpu.dot_dimension_numbers<[0], [0], [1], [1], [0, 1, 1, 1], [], []>, transpose_lhs_hint = false} : vector<416x416xf32>, vector<416x48xf32>, vector<416x48xf32> -> vector<416x48xf32>
    %max3A_50 = arith.constant 0.000000e+00 : f32
    %max3A_51 = vector.broadcast %max3A_50 : f32 to vector<416x48xf32>
    %max3A_52 = arith.maximumf %dot_general3A_49, %max3A_51 : vector<416x48xf32>
    %slice3A_53 = vector.extract_strided_slice %mul3A_31 {offsets = [832, 0], sizes = [416, 26], strides = [1, 1]} : vector<1664x26xf32> to vector<416x26xf32>
    %dot_general3A_54 = arith.constant dense<0.000000e+00> : vector<416x416xf32>
    %dot_general3A_55 = tpu.matmul %slice3A_53, %get3A_21, %dot_general3A_54 {dimension_numbers = #tpu.dot_dimension_numbers<[1], [0], [0], [1], [0, 0, 1, 1], [], []>, transpose_lhs_hint = false} : vector<416x26xf32>, vector<26x416xf32>, vector<416x416xf32> -> vector<416x416xf32>
    %mul3A_56 = arith.mulf %dot_general3A_55, %get3A_24 : vector<416x416xf32>
    %slice3A_57 = vector.extract_strided_slice %dot_general3A_33 {offsets = [832, 0], sizes = [416, 48], strides = [1, 1]} : vector<1664x48xf32> to vector<416x48xf32>
    %dot_general3A_58 = arith.constant dense<0.000000e+00> : vector<416x48xf32>
    %dot_general3A_59 = tpu.matmul %mul3A_56, %slice3A_57, %dot_general3A_58 {dimension_numbers = #tpu.dot_dimension_numbers<[0], [0], [1], [1], [0, 1, 1, 1], [], []>, transpose_lhs_hint = false} : vector<416x416xf32>, vector<416x48xf32>, vector<416x48xf32> -> vector<416x48xf32>
    %max3A_60 = arith.constant 0.000000e+00 : f32
    %max3A_61 = vector.broadcast %max3A_60 : f32 to vector<416x48xf32>
    %max3A_62 = arith.maximumf %dot_general3A_59, %max3A_61 : vector<416x48xf32>
    %slice3A_63 = vector.extract_strided_slice %mul3A_31 {offsets = [1248, 0], sizes = [416, 26], strides = [1, 1]} : vector<1664x26xf32> to vector<416x26xf32>
    %dot_general3A_64 = arith.constant dense<0.000000e+00> : vector<416x416xf32>
    %dot_general3A_65 = tpu.matmul %slice3A_63, %get3A_21, %dot_general3A_64 {dimension_numbers = #tpu.dot_dimension_numbers<[1], [0], [0], [1], [0, 0, 1, 1], [], []>, transpose_lhs_hint = false} : vector<416x26xf32>, vector<26x416xf32>, vector<416x416xf32> -> vector<416x416xf32>
    %mul3A_66 = arith.mulf %dot_general3A_65, %get3A_24 : vector<416x416xf32>
    %slice3A_67 = vector.extract_strided_slice %dot_general3A_33 {offsets = [1248, 0], sizes = [416, 48], strides = [1, 1]} : vector<1664x48xf32> to vector<416x48xf32>
    %dot_general3A_68 = arith.constant dense<0.000000e+00> : vector<416x48xf32>
    %dot_general3A_69 = tpu.matmul %mul3A_66, %slice3A_67, %dot_general3A_68 {dimension_numbers = #tpu.dot_dimension_numbers<[0], [0], [1], [1], [0, 1, 1, 1], [], []>, transpose_lhs_hint = false} : vector<416x416xf32>, vector<416x48xf32>, vector<416x48xf32> -> vector<416x48xf32>
    %max3A_70 = arith.constant 0.000000e+00 : f32
    %max3A_71 = vector.broadcast %max3A_70 : f32 to vector<416x48xf32>
    %max3A_72 = arith.maximumf %dot_general3A_69, %max3A_71 : vector<416x48xf32>
    %concatenate3A = tpu.concatenate %max3A_42, %max3A_52, %max3A_62, %max3A_72 in 0 : vector<416x48xf32>, vector<416x48xf32>, vector<416x48xf32>, vector<416x48xf32> -> vector<1664x48xf32>
    %dot_general3A_73 = arith.constant dense<0.000000e+00> : vector<1664x60xf32>
    %dot_general3A_74 = tpu.matmul %concatenate3A, %get3A_12, %dot_general3A_73 {dimension_numbers = #tpu.dot_dimension_numbers<[1], [0], [0], [1], [0, 0, 1, 1], [], []>, transpose_lhs_hint = false} : vector<1664x48xf32>, vector<48x60xf32>, vector<1664x60xf32> -> vector<1664x60xf32>
    %slice3A_75 = vector.extract_strided_slice %mul3A_31 {offsets = [0, 0], sizes = [1664, 1], strides = [1, 1]} : vector<1664x26xf32> to vector<1664x1xf32>
    %mul3A_76 = vector.broadcast %slice3A_75 : vector<1664x1xf32> to vector<1664x60xf32>
    %mul3A_77 = arith.mulf %dot_general3A_74, %mul3A_76 : vector<1664x60xf32>
    %dot_general3A_78 = arith.constant dense<0.000000e+00> : vector<64x60xf32>
    %dot_general3A_79 = tpu.matmul %get3A_18, %mul3A_77, %dot_general3A_78 {dimension_numbers = #tpu.dot_dimension_numbers<[1], [0], [0], [1], [0, 0, 1, 1], [], []>, transpose_lhs_hint = false} : vector<64x1664xf32>, vector<1664x60xf32>, vector<64x60xf32> -> vector<64x60xf32>
    %max3A_80 = arith.constant 0.000000e+00 : f32
    %max3A_81 = vector.broadcast %max3A_80 : f32 to vector<64x60xf32>
    %max3A_82 = arith.maximumf %dot_general3A_79, %max3A_81 : vector<64x60xf32>
    %dot_general3A_83 = arith.constant dense<0.000000e+00> : vector<64x1xf32>
    %dot_general3A_84 = tpu.matmul %max3A_82, %get3A_15, %dot_general3A_83 {dimension_numbers = #tpu.dot_dimension_numbers<[1], [0], [0], [1], [0, 0, 1, 1], [], []>, transpose_lhs_hint = false} : vector<64x60xf32>, vector<60x1xf32>, vector<64x1xf32> -> vector<64x1xf32>
    %max3A_85 = arith.constant 0.000000e+00 : f32
    %max3A_86 = vector.broadcast %max3A_85 : f32 to vector<64x1xf32>
    %max3A_87 = arith.maximumf %dot_general3A_84, %max3A_86 : vector<64x1xf32>
    %swap3A = arith.constant 0 : index
    %swap3A_88 = arith.constant 0 : index
    %swap3A_89 = vector.load %arg6[%swap3A, %swap3A_88] : memref<64x1xf32, #tpu.memory_space<vmem>>, vector<64x1xf32>
    tpu.vector_store %arg6[%swap3A, %swap3A_88], %max3A_87 {strides = array<i32>} : memref<64x1xf32, #tpu.memory_space<vmem>>, vector<64x1xf32>,
    return
  }
  func.func @transform_0(%arg0: i32) -> (i32, i32) {
    %c0_i32 = arith.constant 0 : i32
    %c0_i32_0 = arith.constant 0 : i32
    return %arg0, %c0_i32 : i32, i32
  }
  func.func @transform_1(%arg0: i32) -> (i32, i32) {
    %c0_i32 = arith.constant 0 : i32
    %c0_i32_0 = arith.constant 0 : i32
    return %arg0, %c0_i32 : i32, i32
  }
  func.func @transform_2(%arg0: i32) -> (i32, i32) {
    %c0_i32 = arith.constant 0 : i32
    %c0_i32_0 = arith.constant 0 : i32
    %c0_i32_1 = arith.constant 0 : i32
    return %c0_i32, %c0_i32_0 : i32, i32
  }
  func.func @transform_3(%arg0: i32) -> (i32, i32) {
    %c0_i32 = arith.constant 0 : i32
    %c0_i32_0 = arith.constant 0 : i32
    %c0_i32_1 = arith.constant 0 : i32
    return %c0_i32, %c0_i32_0 : i32, i32
  }
  func.func @transform_4(%arg0: i32) -> (i32, i32) {
    %c0_i32 = arith.constant 0 : i32
    %c0_i32_0 = arith.constant 0 : i32
    %c0_i32_1 = arith.constant 0 : i32
    return %c0_i32, %c0_i32_0 : i32, i32
  }
  func.func @transform_5(%arg0: i32) -> (i32, i32) {
    %c0_i32 = arith.constant 0 : i32
    %c0_i32_0 = arith.constant 0 : i32
    return %arg0, %c0_i32 : i32, i32
  }
}

</mosaic_0001>

<sc_bundles>
// kernel: kernel.6.cloned.1.call-start
scs
__scs_entry_jumppad:
0x0: {  	(pc) =	sbr.rel $0x88, $3  }
0x1: {  	(tag) =	ssettag $0x0;
	lr =	simm.s32 $0x1  }
0x2: {  	[smem:$0x3F9B] =	sst lr;
	_ =	strace $0xD0000000  }
0x3: {  	_ = 	snop  }
0x4: {  	_ = 	snop  }
0x5: {  	_ = 	snop  }
0x6: {  	_ = 	snop  }
0x7: {  	_ = 	snop  }
__scs_overlays_trampoline_lowered:
0x8: {  	[smem:$0x3FAA] =	sst s0  }
0x9: {  	[smem:$0x3FAB] =	sst s1  }
0xa: {  	[smem:$0x3FAC] =	sst s2  }
0xb: {  	[smem:$0x3FAD] =	sst s3  }
0xc: {  	[smem:$0x3FAE] =	sst s4  }
0xd: {  	[smem:$0x3FAF] =	sst s5  }
0xe: {  	[smem:$0x3FB0] =	sst s6  }
0xf: {  	[smem:$0x3FB1] =	sst s7  }
0x10: {  	[smem:$0x3FB2] =	sst s8  }
0x11: {  	[smem:$0x3FB3] =	sst s9;
	s0 =	simm.s32 @!p0 $0x0  }
0x12: {  	s1 =	sld [smem:$0x3F99];
	s0 =	simm.s32 @p0 $0x1  }
0x13: {  	[smem:$0x3FB4] =	sst s0;
	s0 =	simm.s32 @!p1 $0x0  }
0x14: {  	s2 =	sld [smem:$0x3F98];
	s0 =	simm.s32 @p1 $0x1  }
0x15: {  	[smem:$0x3FB5] =	sst s0;
	s0 =	simm.s32 @!p2 $0x0  }
0x16: {  	s3 =	sld [smem:$0x3FDB];
	s0 =	simm.s32 @p2 $0x1  }
0x17: {  	s4 =	simm.s32 $0x1BF5;
	[smem:$0x3FB7] =	sst s0  }
0x18: {  	s0 =	sld [smem:$0x3F9A];
	_ =	swait.ge [sflag:s4], $0x0  }
0x19: {  	s7 =	sld [smem:$0x3F9B]  }
0x1a: {  	s8 =	sadd.s32 $0xFFFFE003, lr  }
0x1b: {  	s9 =	sadd.s32 $0xFFFFFEF7, lr;
	s5 =	simm.s32 $0xFFFFFFFF;
	p2 =	slt.u32 s8, $0xFFFFF086  }
0x1c: {  	p1 =	slt.u32 s9, $0xF7A;
	s5 =	simm.s32 @!p2 $0x0  }
0x1d: {  	s5 =	simm.s32 @p1 $0x1;
	p0 =	seq.s32 s7, s2  }
0x1e: {  	s7 =	smul.u32 @!p0 $0xF7A, s2;
	p2 =	seq.s32 @!p0 s5, $0x0  }
0x1f: {  	s9 =	smul.u32 $0xF7A, s1;
	s8 =	simm.s32 @!p0 $0x1BF5;
	p2 =	por !p2, p0  }
0x20: {  	[sflag:s8] =	ssyncset.s32 @!p0 $0xFFFFF086;
	s6 =	sadd.s32 @!p0 s3, s7;
	s7 =	simm.s32 @!p0 $0x108  }
0x21: {  	s3 =	sadd.s32 s3, s9;
	s6 =	sadd.s32 @!p0 $0x88, s6;
	s7 =	simm.s32 @p2 $0x1082  }
0x22: {  	[simem:s7], [sflag:s8] =	dma.local @!p0 [hbm:s6], $0xF7A  }
0x23: {  	s9 =	sor.u32 $0xD0000000, s2;
	s6 =	simm.s32 $0x108;
	_ =	swait.ge @!p0 [sflag:s8], $0x0  }
0x24: {  	s3 =	sadd.s32 $0x88, s3;
	s6 =	simm.s32 @!p1 $0x1082;
	[sflag:s4] =	ssyncset.s32 $0xFFFFF086  }
0x25: {  	[simem:s6], [sflag:s4] =	dma.local [hbm:s3], $0xF7A  }
0x26: {  	[smem:$0x3F9B] =	sst s1;
	(tag) =	ssettag s2;
	_ =	strace s9  }
0x27: {  	s1 =	sld [smem:$0x3FAB]  }
0x28: {  	s2 =	sld [smem:$0x3FAC]  }
0x29: {  	s4 =	sld [smem:$0x3FAE]  }
0x2a: {  	p0 =	seq.s32 s5, $0x0;
	s5 =	sld [smem:$0x3FAF]  }
0x2b: {  	s6 =	sld [smem:$0x3FB0]  }
0x2c: {  	s7 =	sld [smem:$0x3FB1]  }
0x2d: {  	s3 =	simm.s32 $0x108;
	s8 =	sld [smem:$0x3FB2]  }
0x2e: {  	s3 =	simm.s32 @!p0 $0x1082;
	s9 =	sld [smem:$0x3FB3]  }
0x2f: {  	lr =	sadd.s32 s0, s3;
	s0 =	sld [smem:$0x3FAA]  }
0x30: {  	s3 =	sld [smem:$0x3FAD]  }
0x31: {  	[smem:$0x3FB6] =	sst s10  }
0x32: {  	s10 =	sld [smem:$0x3FB4];
	_ =	sdelay $0x3  }
0x33: {  	p0 =	seq.s32 s10, $0x1;
	s10 =	sld [smem:$0x3FB6];
	_ =	sdelay $0x3  }
0x34: {  	[smem:$0x3FB6] =	sst s10  }
0x35: {  	s10 =	sld [smem:$0x3FB5];
	_ =	sdelay $0x3  }
0x36: {  	p1 =	seq.s32 s10, $0x1;
	s10 =	sld [smem:$0x3FB6];
	_ =	sdelay $0x3  }
0x37: {  	[smem:$0x3FB6] =	sst s10  }
0x38: {  	s10 =	sld [smem:$0x3FB7]  }
0x39: {  	_ = 	snop;
	(pc) =	sbr.ind lr, $3  }
0x3a: {  	_ = 	snop  }
0x3b: {  	_ = 	snop  }
0x3c: {  	p2 =	seq.s32 s10, $0x1;
	s10 =	sld [smem:$0x3FB6]  }
0x3d: {  	_ =	shalt  }
0x3e: {  	_ =	shalt  }
0x3f: {  	_ =	shalt  }
0x40: {  	_ =	shalt  }
0x41: {  	_ =	shalt  }
0x42: {  	_ =	shalt  }
0x43: {  	_ =	shalt  }
0x44: {  	_ =	shalt  }
0x45: {  	_ =	shalt  }
0x46: {  	_ =	shalt  }
0x47: {  	_ =	shalt  }
0x48: {  	_ =	shalt  }
0x49: {  	_ =	shalt  }
0x4a: {  	_ =	shalt  }
0x4b: {  	_ =	shalt  }
0x4c: {  	_ =	shalt  }
0x4d: {  	_ =	shalt  }
0x4e: {  	_ =	shalt  }
0x4f: {  	_ =	shalt  }
0x50: {  	_ =	shalt  }
0x51: {  	_ =	shalt  }
0x52: {  	_ =	shalt  }
0x53: {  	_ =	shalt  }
0x54: {  	_ =	shalt  }
0x55: {  	_ =	shalt  }
0x56: {  	_ =	shalt  }
0x57: {  	_ =	shalt  }
0x58: {  	_ =	shalt  }
0x59: {  	_ =	shalt  }
0x5a: {  	_ =	shalt  }
0x5b: {  	_ =	shalt  }
0x5c: {  	_ =	shalt  }
0x5d: {  	_ =	shalt  }
0x5e: {  	_ =	shalt  }
0x5f: {  	_ =	shalt  }
0x60: {  	_ =	shalt  }
0x61: {  	_ =	shalt  }
0x62: {  	_ =	shalt  }
0x63: {  	_ =	shalt  }
0x64: {  	_ =	shalt  }
0x65: {  	_ =	shalt  }
0x66: {  	_ =	shalt  }
0x67: {  	_ =	shalt  }
0x68: {  	_ =	shalt  }
0x69: {  	_ =	shalt  }
0x6a: {  	_ =	shalt  }
0x6b: {  	_ =	shalt  }
0x6c: {  	_ =	shalt  }
0x6d: {  	_ =	shalt  }
0x6e: {  	_ =	shalt  }
0x6f: {  	_ =	shalt  }
0x70: {  	_ =	shalt  }
0x71: {  	_ =	shalt  }
0x72: {  	_ =	shalt  }
0x73: {  	_ =	shalt  }
0x74: {  	_ =	shalt  }
0x75: {  	_ =	shalt  }
0x76: {  	_ =	shalt  }
0x77: {  	_ =	shalt  }
0x78: {  	_ =	shalt  }
0x79: {  	_ =	shalt  }
0x7a: {  	_ =	shalt  }
0x7b: {  	_ =	shalt  }
0x7c: {  	_ =	shalt  }
0x7d: {  	_ =	shalt  }
0x7e: {  	_ =	shalt  }
0x7f: {  	_ =	shalt  }
0x80: {  	_ =	shalt  }
0x81: {  	_ =	shalt  }
0x82: {  	_ =	shalt  }
0x83: {  	_ =	shalt  }
0x84: {  	_ =	shalt  }
0x85: {  	_ =	shalt  }
0x86: {  	_ =	shalt  }
0x87: {  	_ =	shalt  }
.Lfunc_end0:
.L_simem_size_0:
called_computation.1_lowered:
.L_overlay_start_0:
0x88: {  	s2 =	sld [smem:$0x3FD9]  }
0x89: {  	s3 =	sld [smem:$0x3FFE];
	_ =	sdelay $0x1  }
0x8a: {  	s1 =	srdreg.scid  }
0x8b: {  	s0 =	sand.u32 $0x1, s1  }
0x8c: {  	s17 =	sshll.u32 s0, $0xA;
	s2 =	sadd.s32 s3, s2  }
0x8d: {  	s2 =	sadd.s32 s2, s17  }
0x8e: {  	[smem:$0x3FC2] =	sst s2  }
0x8f: {  	_ = 	snop  }
0x90: {  	s18 =	sld [smem:$0x3FC8];
	(tm) =	ssettm $0x1  }
0x91: {  	s19 =	sld [smem:$0x3FFB];
	_ =	sdelay $0x3  }
0x92: {  	_ =	strace s19  }
0x93: {  	s2 =	sld [smem:$0x3FFC];
	_ =	sdelay $0x3  }
0x94: {  	_ =	strace s2  }
0x95: {  	s2 =	sld [smem:$0x3FFD];
	_ =	sdelay $0x3  }
0x96: {  	_ =	strace s2  }
0x97: {  	_ =	strace $0x8FFFFFFF  }
0x98: {  	s20 =	sld [smem:$0x3FDB];
	_ =	sdelay $0x1  }
0x99: {  	s4 =	simm.s32 $_scs_section_size  }
0x9a: {  	s5 =	simm.s32 $_size__tile_overlayer_lowered;
	s6 =	simm.s32 $_tile_overlayer_lowered  }
0x9b: {  	s7 =	simm.s32 $0x1BFF;
	s21 =	sshll.u32 s6, $0x1;
	s4 =	sadd.s32 s4, s20  }
0x9c: {  	s22 =	simm.s32 $0x0;
	s5 =	sshll.u32 s5, $0x1;
	s6 =	sadd.s32 s21, s4  }
0x9d: {  	[timem:s22], [sflag:s7] =	dma.local [hbm:s6], s5  }
0x9e: {  	_ =	swait.ge [sflag:s7], s5  }
0x9f: {  	s5 =	ssub.s32 $0x0, s5;
	[sflag:s7] =	ssyncset.done $0x0  }
0xa0: {  	[sflag:s7] =	ssyncadd.s32 s5;
	_ =	sdelay $0x1  }
0xa1: {  	s23 =	simm.s32 $0x1B8B  }
0xa2: {  	_ =	swait.ge [sflag:s23], $0x1  }
0xa3: {  	[sflag:s23] =	ssyncset.done $0x0  }
0xa4: {  	[sflag:s23] =	ssyncadd.s32 $0xFFFFFFFF  }
0xa5: {  	s5 =	sld [smem:$0x0]  }
0xa6: {  	s6 =	sand.u32 $0xFFFFFFFE, s1  }
0xa7: {  	p0 =	sne.s32 s1, s6  }
0xa8: {  	s6 =	sshll.u32 @p0 s6, $0xE  }
0xa9: {  	s6 =	sadd.s32 @p0 $0x11B8D, s6;
	s7 =	sshll.u32 @p0 s5, $0x11  }
0xaa: {  	s6 =	sor.u32 @p0 s7, s6  }
0xab: {  	[sflag:s6] =	ssyncadd.remote.s32 @p0 $0x1;
	_ =	sdelay $0x1  }
0xac: {  	s6 =	simm.s32 @p0 $0x1B8D  }
0xad: {  	_ =	swait.eq @p0 [sflag:s6], $0x1  }
0xae: {  	[sflag:s6] =	ssyncadd.s32 @p0 $0xFFFFFFFF  }
0xaf: {  	s7 =	sshll.u32 @!p0 s1, $0xE  }
0xb0: {  	s7 =	sor.u32 @!p0 $0x4000, s7;
	s6 =	simm.s32 @!p0 $0x1B8D  }
0xb1: {  	s5 =	sshll.u32 @!p0 s5, $0x11;
	s7 =	sadd.s32 @!p0 $0x11B8D, s7;
	_ =	swait.eq @!p0 [sflag:s6], $0x1  }
0xb2: {  	s5 =	sor.u32 @!p0 s5, s7;
	[sflag:s6] =	ssyncadd.s32 @!p0 $0xFFFFFFFF  }
0xb3: {  	s25 =	simm.s32 $0x1B8E;
	s24 =	sld [smem:$0x3FFE];
	[sflag:s5] =	ssyncadd.remote.s32 @!p0 $0x1  }
0xb4: {  	s26 =	simm.s32 $execute0_lowered;
	[smem:$0x3FD2] =	sst s25  }
0xb5: {  	s6 =	sshll.u32 s26, $0x1;
	_ =	strace $0x80000049;
	[dreg:$0x1] =	wrdreg $0xFFFFFFFF  }
0xb6: {  	s28 =	simm.s32 $_size_execute0_lowered;
	s4 =	sadd.s32 s4, s6;
	[dreg:$0x0] =	wrdreg $0x0  }
0xb7: {  	s6 =	sshll.u32 s28, $0x1;
	[dreg:$0x2] =	wrdreg s4  }
0xb8: {  	[dreg:$0x3] =	wrdreg s6  }
0xb9: {  	[dreg:$0x4] =	wrdreg $0xC0  }
0xba: {  	_ =	task [dreg:s22], $0x5FFFF  }
0xbb: {  	[dreg:$0x1] =	wrdreg $0xFFFFFFFF  }
0xbc: {  	[dreg:$0x0] =	wrdreg $0x60  }
0xbd: {  	[dreg:$0x2] =	wrdreg s18  }
0xbe: {  	[dreg:$0x3] =	wrdreg s24  }
0xbf: {  	[dreg:$0x4] =	wrdreg $0x9  }
0xc0: {  	_ =	task.clear_ibuf [dreg:s22], $0x5FFFF;
	_ =	strace $0x90000049  }
0xc1: {  	s29 =	simm.s32 $0x9;
	_ =	strace $0x8000004B  }
0xc2: {  	_ =	swait.ge [sflag:s29], $0x1  }
0xc3: {  	[sflag:s29] =	ssyncadd.s32 $0xFFFFFFFF  }
0xc4: {  	_ =	strace $0x9000004B  }
0xc5: {  	_ =	sfence  }
0xc6: {  	s30 =	sld [smem:$0x0];
	_ =	sdelay $0x2  }
0xc7: {  	s31 =	sshll.u32 s1, $0xD;
	s1 =	sshrl.u32 s1, $0x2  }
0xc8: {  	s4 =	sand.u32 $0x4000, s31;
	s1 =	sadd.s32 s1, s30  }
0xc9: {  	s0 =	sor.u32 s4, s0;
	s1 =	sshll.u32 s1, $0x11  }
0xca: {  	s0 =	sor.u32 s1, s0  }
0xcb: {  	s0 =	sadd.s32 $0x8F2B, s0  }
0xcc: {  	[sflag:s0] =	ssyncadd.remote.s32 $0x1  }
0xcd: {  	_ =	sfence.sel $0xFFFF  }
0xce: {  	[dreg:$0x0] =	wrdreg $0xFFFFFFFF;
	(pc) =	sbr.abs _section_cstart, $3  }
0xcf: {  	[dreg:$0x1] =	wrdreg $0xFFFFFFFF  }
0xd0: {  	_ =	task.clear_ibuf [dreg:s22], $0x2FFFF;
	_ =	strace $0x9FFFFFFF  }
0xd1: {  	(tm) =	ssettm $0x7FFFFFFF  }
tec
execute0_lowered:
.L_overlay_start_1:
0x0: {  	(tag) =	ssettag $0x1  }
0x1: {  	s1 =	srdreg.scid;
	s0 =	stileid.u32  }
0x2: {  	s14 =	sand.u32 $0x1, s1;
	s29 =	sshll.u32 s0, $0x1  }
0x3: {  	s12 =	sor.u32 s14, s29  }
0x4: {  	s2 =	rddreg [dreg:$0x0];
	s6 =	smul.u32 $0x340, s12  }
0x5: {  	s13 =	rddreg [dreg:$0x1];
	s3 =	simm.s32 $0x0;
	s5 =	simm.s32 $0x5  }
0x6: {  	[smem:$0x7FF] =	sst s3;
	s8 =	sadd.s32 $0x341600, s13;
	s4 =	sshrl.u32 s6, $0x3  }
0x7: {  	s1 =	rddreg [dreg:$0x2];
	_ =	strace $0x8000004A;
	s4 =	sadd.s32 s8, s4  }
0x8: {  	[tilespmem:s3], [sflag:$0x5] =	stream.linear.gather [hbm4b:s4+s3], $0x1A0, $0x38;
	[tilespmem:$0x1A400] =	vst v63  }
0x9: {  	_ =	swait.ge [sflag:s5], $0x1A0  }
0xa: {  	s7 =	simm.s32 $0x400;
	s15 =	sadd.s32 $0x1A0, s6;
	[sflag:s5] =	ssyncset.done $0x0  }
0xb: {  	s6 =	simm.s32 $0x1A0;
	s9 =	sshrl.u32 s15, $0x3;
	[sflag:s5] =	ssyncadd.s32 $0xFFFFFE60  }
0xc: {  	[tilespmem:s7], [sflag:$0x1] =	stream.indirect.gather [hbm4b:s2+s6], $0x80, s3, s6, $0xb8;
	[tilespmem:$0x1A400] =	vst v63  }
0xd: {  	s8 =	sadd.s32 s8, s9;
	s9 =	simm.s32 $0x200  }
0xe: {  	[tilespmem:s9], [sflag:$0x5] =	stream.linear.gather [hbm4b:s8+s3], $0x1A0, $0x38;
	[tilespmem:$0x1A400] =	vst v63  }
0xf: {  	_ =	swait.ge [sflag:s5], $0x1A0  }
0x10: {  	s10 =	simm.s32 $0xD400;
	[sflag:s5] =	ssyncset.done $0x0  }
0x11: {  	s11 =	simm.s32 $0x1;
	s16 =	sadd.s32 $0x342400, s13;
	[sflag:s5] =	ssyncadd.s32 $0xFFFFFE60  }
0x12: {  	[tilespmem:s10], [sflag:$0x2] =	stream.indirect.gather [hbm4b:s2+s6], $0x80, s9, s6, $0xb8;
	[tilespmem:$0x1A400] =	vst v63  }
0x13: {  	s17 =	ssub.s32 $0x2, s14;
	s12 =	smul.u32 $0x3400, s12;
	_ =	swait.ge [sflag:s11], $0xD000  }
0x14: {  	s13 =	simm.s32 $0x2;
	s31 =	sshrl.u32 s17, $0x1;
	[sflag:s11] =	ssyncset.done $0x0  }
0x15: {  	s12 =	sadd.s32 s16, s12;
	s30 =	sshll.u32 s15, $0x4;
	[sflag:s11] =	ssyncadd.s32 $0xFFFF3000  }
0x16: {  	[hbm4b:s12+s3] =	stream.linear.scatter [tilespmem:s7], [sflag:$0x3], $0xD000, $0x38;
	[tilespmem:$0x1A400] =	vst v63  }
0x17: {  	s14 =	sadd.s32 s16, s30;
	s16 =	ssub.s32 s17, s31;
	_ =	swait.ge [sflag:s13], $0xD000  }
0x18: {  	s17 =	smax.u32 s16, $0x1;
	[sflag:s13] =	ssyncset.done $0x0  }
0x19: {  	s15 =	simm.s32 $0x3;
	p0 =	sne.s32 s17, $0x1;
	[sflag:s13] =	ssyncadd.s32 $0xFFFF3000  }
0x1a: {  	[hbm4b:s14+s3] =	stream.linear.scatter [tilespmem:s10], [sflag:$0x4], $0xD000, $0x38;
	[tilespmem:$0x1A400] =	vst v63  }
.Ltmp0:
0x1b: {  	_ =	swait.ge [sflag:s15], $0xD000;
	(pc) =	sbr.rel @!p0 .LBB2_2-.Ltmp0, $4  }
0x1c: {  	[sflag:s15] =	ssyncset.done $0x0  }
0x1d: {  	s16 =	simm.s32 $0x4;
	[sflag:s15] =	ssyncadd.s32 $0xFFFF3000  }
0x1e: {  	_ =	swait.ge [sflag:s16], $0xD000  }
0x1f: {  	s17 =	sadd.s32 $0xFFFFFFFF, s17;
	[sflag:s16] =	ssyncset.done $0x0  }
.LBB2_1:
0x20: {  	p0 =	sne.s32 s17, $0x1;
	s17 =	sadd.s32 $0xFFFFFFFF, s17;
	[sflag:s16] =	ssyncadd.s32 $0xFFFF3000  }
0x21: {  	[tilespmem:s3], [sflag:$0x5] =	stream.linear.gather [hbm4b:s4+s3], $0x1A0, $0x38;
	[tilespmem:$0x1A400] =	vst v63  }
0x22: {  	_ =	swait.ge [sflag:s5], $0x1A0  }
0x23: {  	[sflag:s5] =	ssyncset.done $0x0  }
0x24: {  	[sflag:s5] =	ssyncadd.s32 $0xFFFFFE60  }
0x25: {  	[tilespmem:s7], [sflag:$0x1] =	stream.indirect.gather [hbm4b:s2+s6], $0x80, s3, s6, $0xb8;
	[tilespmem:$0x1A400] =	vst v63  }
0x26: {  	_ = 	snop  }
0x27: {  	[tilespmem:s9], [sflag:$0x5] =	stream.linear.gather [hbm4b:s8+s3], $0x1A0, $0x38;
	[tilespmem:$0x1A400] =	vst v63  }
0x28: {  	_ =	swait.ge [sflag:s5], $0x1A0  }
0x29: {  	[sflag:s5] =	ssyncset.done $0x0  }
0x2a: {  	[sflag:s5] =	ssyncadd.s32 $0xFFFFFE60  }
0x2b: {  	[tilespmem:s10], [sflag:$0x2] =	stream.indirect.gather [hbm4b:s2+s6], $0x80, s9, s6, $0xb8;
	[tilespmem:$0x1A400] =	vst v63  }
0x2c: {  	_ =	swait.ge [sflag:s11], $0xD000  }
0x2d: {  	[sflag:s11] =	ssyncset.done $0x0  }
0x2e: {  	[sflag:s11] =	ssyncadd.s32 $0xFFFF3000  }
0x2f: {  	[hbm4b:s12+s3] =	stream.linear.scatter [tilespmem:s7], [sflag:$0x3], $0xD000, $0x38;
	[tilespmem:$0x1A400] =	vst v63  }
0x30: {  	_ =	swait.ge [sflag:s13], $0xD000  }
0x31: {  	[sflag:s13] =	ssyncset.done $0x0  }
0x32: {  	[sflag:s13] =	ssyncadd.s32 $0xFFFF3000  }
0x33: {  	[hbm4b:s14+s3] =	stream.linear.scatter [tilespmem:s10], [sflag:$0x4], $0xD000, $0x38;
	[tilespmem:$0x1A400] =	vst v63  }
.Ltmp1:
0x34: {  	_ =	swait.ge [sflag:s15], $0xD000;
	(pc) =	sbr.rel @p0 .LBB2_1-.Ltmp1, $4  }
0x35: {  	[sflag:s15] =	ssyncset.done $0x0  }
0x36: {  	[sflag:s15] =	ssyncadd.s32 $0xFFFF3000  }
0x37: {  	_ =	swait.ge [sflag:s16], $0xD000  }
0x38: {  	[sflag:s16] =	ssyncset.done $0x0  }
.LBB2_2:
0x39: {  	[sflag:s16] =	ssyncadd.s32 $0xFFFF3000  }
0x3a: {  	_ =	sfence.sel $0x180000  }
0x3b: {  	[bflag:$0x0] =	sbarrier.arrive $0xFFFF  }
0x3c: {  	p0 =	sne.s32 s0, $0x0;
	_ =	strace $0x9000004A  }
0x3d: {  	s0 =	sadd.s32 @!p0 $0x100000, s1;
	[bflag:$0x2] =	sbarrier.arrive $0xFFFF  }
0x3e: {  	[sflag:s0] =	ssyncadd.tile.s32 @!p0 $0x1;
	_ =	shalt  }
.Lfunc_end2:
_tile_overlayer_lowered:
.L_overlay_start_2:
0x3f: {  	(tag) =	ssettag $0x2  }
0x40: {  	s0 =	rddreg [dreg:$0x0];
	s2 =	stileid.u32  }
0x41: {  	s1 =	rddreg [dreg:$0x1];
	p0 =	sne.s32 s2, $0x0  }
0x42: {  	s3 =	rddreg [dreg:$0x2];
	[bflag:$0x3] =	sbarrier.arrive $0xFFFF;
	s2 =	simm.s32 @!p0 $0x1C05  }
0x43: {  	[timem:s3], [sflag:s2] =	dma.local @!p0 [hbm:s0], s1  }
0x44: {  	s0 =	simm.s32 @!p0 $0x5  }
0x45: {  	_ =	swait.ge @!p0 [sflag:s0], s1  }
0x46: {  	s1 =	ssub.s32 @!p0 $0x0, s1;
	[sflag:s0] =	ssyncset.done @!p0 $0x0  }
0x47: {  	[sflag:s0] =	ssyncadd.s32 @!p0 s1  }
0x48: {  	[bflag:$0x3] =	sbarrier.arrive $0xFFFF  }
0x49: {  	_ =	shalt  }

// kernel: kernel.9.cloned.1.call-start
scs
__scs_entry_jumppad:
0x0: {  	(pc) =	sbr.rel $0x88, $3  }
0x1: {  	(tag) =	ssettag $0x0;
	lr =	simm.s32 $0x1  }
0x2: {  	[smem:$0x3F9B] =	sst lr;
	_ =	strace $0xD0000000  }
0x3: {  	_ = 	snop  }
0x4: {  	_ = 	snop  }
0x5: {  	_ = 	snop  }
0x6: {  	_ = 	snop  }
0x7: {  	_ = 	snop  }
__scs_overlays_trampoline_lowered:
0x8: {  	[smem:$0x3FAA] =	sst s0  }
0x9: {  	[smem:$0x3FAB] =	sst s1  }
0xa: {  	[smem:$0x3FAC] =	sst s2  }
0xb: {  	[smem:$0x3FAD] =	sst s3  }
0xc: {  	[smem:$0x3FAE] =	sst s4  }
0xd: {  	[smem:$0x3FAF] =	sst s5  }
0xe: {  	[smem:$0x3FB0] =	sst s6  }
0xf: {  	[smem:$0x3FB1] =	sst s7  }
0x10: {  	[smem:$0x3FB2] =	sst s8  }
0x11: {  	[smem:$0x3FB3] =	sst s9;
	s0 =	simm.s32 @!p0 $0x0  }
0x12: {  	s1 =	sld [smem:$0x3F99];
	s0 =	simm.s32 @p0 $0x1  }
0x13: {  	[smem:$0x3FB4] =	sst s0;
	s0 =	simm.s32 @!p1 $0x0  }
0x14: {  	s2 =	sld [smem:$0x3F98];
	s0 =	simm.s32 @p1 $0x1  }
0x15: {  	[smem:$0x3FB5] =	sst s0;
	s0 =	simm.s32 @!p2 $0x0  }
0x16: {  	s3 =	sld [smem:$0x3FDB];
	s0 =	simm.s32 @p2 $0x1  }
0x17: {  	s4 =	simm.s32 $0x1BF5;
	[smem:$0x3FB7] =	sst s0  }
0x18: {  	s0 =	sld [smem:$0x3F9A];
	_ =	swait.ge [sflag:s4], $0x0  }
0x19: {  	s7 =	sld [smem:$0x3F9B]  }
0x1a: {  	s8 =	sadd.s32 $0xFFFFE003, lr  }
0x1b: {  	s9 =	sadd.s32 $0xFFFFFEF7, lr;
	s5 =	simm.s32 $0xFFFFFFFF;
	p2 =	slt.u32 s8, $0xFFFFF086  }
0x1c: {  	p1 =	slt.u32 s9, $0xF7A;
	s5 =	simm.s32 @!p2 $0x0  }
0x1d: {  	s5 =	simm.s32 @p1 $0x1;
	p0 =	seq.s32 s7, s2  }
0x1e: {  	s7 =	smul.u32 @!p0 $0xF7A, s2;
	p2 =	seq.s32 @!p0 s5, $0x0  }
0x1f: {  	s9 =	smul.u32 $0xF7A, s1;
	s8 =	simm.s32 @!p0 $0x1BF5;
	p2 =	por !p2, p0  }
0x20: {  	[sflag:s8] =	ssyncset.s32 @!p0 $0xFFFFF086;
	s6 =	sadd.s32 @!p0 s3, s7;
	s7 =	simm.s32 @!p0 $0x108  }
0x21: {  	s3 =	sadd.s32 s3, s9;
	s6 =	sadd.s32 @!p0 $0x88, s6;
	s7 =	simm.s32 @p2 $0x1082  }
0x22: {  	[simem:s7], [sflag:s8] =	dma.local @!p0 [hbm:s6], $0xF7A  }
0x23: {  	s9 =	sor.u32 $0xD0000000, s2;
	s6 =	simm.s32 $0x108;
	_ =	swait.ge @!p0 [sflag:s8], $0x0  }
0x24: {  	s3 =	sadd.s32 $0x88, s3;
	s6 =	simm.s32 @!p1 $0x1082;
	[sflag:s4] =	ssyncset.s32 $0xFFFFF086  }
0x25: {  	[simem:s6], [sflag:s4] =	dma.local [hbm:s3], $0xF7A  }
0x26: {  	[smem:$0x3F9B] =	sst s1;
	(tag) =	ssettag s2;
	_ =	strace s9  }
0x27: {  	s1 =	sld [smem:$0x3FAB]  }
0x28: {  	s2 =	sld [smem:$0x3FAC]  }
0x29: {  	s4 =	sld [smem:$0x3FAE]  }
0x2a: {  	p0 =	seq.s32 s5, $0x0;
	s5 =	sld [smem:$0x3FAF]  }
0x2b: {  	s6 =	sld [smem:$0x3FB0]  }
0x2c: {  	s7 =	sld [smem:$0x3FB1]  }
0x2d: {  	s3 =	simm.s32 $0x108;
	s8 =	sld [smem:$0x3FB2]  }
0x2e: {  	s3 =	simm.s32 @!p0 $0x1082;
	s9 =	sld [smem:$0x3FB3]  }
0x2f: {  	lr =	sadd.s32 s0, s3;
	s0 =	sld [smem:$0x3FAA]  }
0x30: {  	s3 =	sld [smem:$0x3FAD]  }
0x31: {  	[smem:$0x3FB6] =	sst s10  }
0x32: {  	s10 =	sld [smem:$0x3FB4];
	_ =	sdelay $0x3  }
0x33: {  	p0 =	seq.s32 s10, $0x1;
	s10 =	sld [smem:$0x3FB6];
	_ =	sdelay $0x3  }
0x34: {  	[smem:$0x3FB6] =	sst s10  }
0x35: {  	s10 =	sld [smem:$0x3FB5];
	_ =	sdelay $0x3  }
0x36: {  	p1 =	seq.s32 s10, $0x1;
	s10 =	sld [smem:$0x3FB6];
	_ =	sdelay $0x3  }
0x37: {  	[smem:$0x3FB6] =	sst s10  }
0x38: {  	s10 =	sld [smem:$0x3FB7]  }
0x39: {  	_ = 	snop;
	(pc) =	sbr.ind lr, $3  }
0x3a: {  	_ = 	snop  }
0x3b: {  	_ = 	snop  }
0x3c: {  	p2 =	seq.s32 s10, $0x1;
	s10 =	sld [smem:$0x3FB6]  }
0x3d: {  	_ =	shalt  }
0x3e: {  	_ =	shalt  }
0x3f: {  	_ =	shalt  }
0x40: {  	_ =	shalt  }
0x41: {  	_ =	shalt  }
0x42: {  	_ =	shalt  }
0x43: {  	_ =	shalt  }
0x44: {  	_ =	shalt  }
0x45: {  	_ =	shalt  }
0x46: {  	_ =	shalt  }
0x47: {  	_ =	shalt  }
0x48: {  	_ =	shalt  }
0x49: {  	_ =	shalt  }
0x4a: {  	_ =	shalt  }
0x4b: {  	_ =	shalt  }
0x4c: {  	_ =	shalt  }
0x4d: {  	_ =	shalt  }
0x4e: {  	_ =	shalt  }
0x4f: {  	_ =	shalt  }
0x50: {  	_ =	shalt  }
0x51: {  	_ =	shalt  }
0x52: {  	_ =	shalt  }
0x53: {  	_ =	shalt  }
0x54: {  	_ =	shalt  }
0x55: {  	_ =	shalt  }
0x56: {  	_ =	shalt  }
0x57: {  	_ =	shalt  }
0x58: {  	_ =	shalt  }
0x59: {  	_ =	shalt  }
0x5a: {  	_ =	shalt  }
0x5b: {  	_ =	shalt  }
0x5c: {  	_ =	shalt  }
0x5d: {  	_ =	shalt  }
0x5e: {  	_ =	shalt  }
0x5f: {  	_ =	shalt  }
0x60: {  	_ =	shalt  }
0x61: {  	_ =	shalt  }
0x62: {  	_ =	shalt  }
0x63: {  	_ =	shalt  }
0x64: {  	_ =	shalt  }
0x65: {  	_ =	shalt  }
0x66: {  	_ =	shalt  }
0x67: {  	_ =	shalt  }
0x68: {  	_ =	shalt  }
0x69: {  	_ =	shalt  }
0x6a: {  	_ =	shalt  }
0x6b: {  	_ =	shalt  }
0x6c: {  	_ =	shalt  }
0x6d: {  	_ =	shalt  }
0x6e: {  	_ =	shalt  }
0x6f: {  	_ =	shalt  }
0x70: {  	_ =	shalt  }
0x71: {  	_ =	shalt  }
0x72: {  	_ =	shalt  }
0x73: {  	_ =	shalt  }
0x74: {  	_ =	shalt  }
0x75: {  	_ =	shalt  }
0x76: {  	_ =	shalt  }
0x77: {  	_ =	shalt  }
0x78: {  	_ =	shalt  }
0x79: {  	_ =	shalt  }
0x7a: {  	_ =	shalt  }
0x7b: {  	_ =	shalt  }
0x7c: {  	_ =	shalt  }
0x7d: {  	_ =	shalt  }
0x7e: {  	_ =	shalt  }
0x7f: {  	_ =	shalt  }
0x80: {  	_ =	shalt  }
0x81: {  	_ =	shalt  }
0x82: {  	_ =	shalt  }
0x83: {  	_ =	shalt  }
0x84: {  	_ =	shalt  }
0x85: {  	_ =	shalt  }
0x86: {  	_ =	shalt  }
0x87: {  	_ =	shalt  }
.Lfunc_end0:
.L_simem_size_0:
called_computation.2_lowered:
.L_overlay_start_0:
0x88: {  	s2 =	sld [smem:$0x3FD9]  }
0x89: {  	s3 =	sld [smem:$0x3FFE];
	_ =	sdelay $0x1  }
0x8a: {  	s1 =	srdreg.scid  }
0x8b: {  	s0 =	sand.u32 $0x1, s1  }
0x8c: {  	s17 =	sshll.u32 s0, $0xA;
	s2 =	sadd.s32 s3, s2  }
0x8d: {  	s2 =	sadd.s32 s2, s17  }
0x8e: {  	[smem:$0x3FC2] =	sst s2  }
0x8f: {  	_ = 	snop  }
0x90: {  	(tm) =	ssettm $0x1  }
0x91: {  	s18 =	sld [smem:$0x3FFB];
	_ =	sdelay $0x3  }
0x92: {  	_ =	strace s18  }
0x93: {  	s2 =	sld [smem:$0x3FFC];
	_ =	sdelay $0x3  }
0x94: {  	_ =	strace s2  }
0x95: {  	s2 =	sld [smem:$0x3FFD];
	_ =	sdelay $0x3  }
0x96: {  	_ =	strace s2  }
0x97: {  	_ =	strace $0x8FFFFFFF  }
0x98: {  	s19 =	sld [smem:$0x3FDB];
	_ =	sdelay $0x1  }
0x99: {  	s20 =	simm.s32 $_scs_section_size  }
0x9a: {  	s4 =	simm.s32 $_size__tile_overlayer_lowered;
	s5 =	simm.s32 $_tile_overlayer_lowered  }
0x9b: {  	s6 =	simm.s32 $0x1BFF;
	s21 =	sshll.u32 s5, $0x1;
	s3 =	sadd.s32 s20, s19  }
0x9c: {  	s22 =	simm.s32 $0x0;
	s4 =	sshll.u32 s4, $0x1;
	s5 =	sadd.s32 s21, s3  }
0x9d: {  	[timem:s22], [sflag:s6] =	dma.local [hbm:s5], s4  }
0x9e: {  	_ =	swait.ge [sflag:s6], s4  }
0x9f: {  	s4 =	ssub.s32 $0x0, s4;
	[sflag:s6] =	ssyncset.done $0x0  }
0xa0: {  	[sflag:s6] =	ssyncadd.s32 s4;
	_ =	sdelay $0x1  }
0xa1: {  	s23 =	simm.s32 $0x1B8B  }
0xa2: {  	_ =	swait.ge [sflag:s23], $0x1  }
0xa3: {  	[sflag:s23] =	ssyncset.done $0x0  }
0xa4: {  	[sflag:s23] =	ssyncadd.s32 $0xFFFFFFFF  }
0xa5: {  	s4 =	sld [smem:$0x0]  }
0xa6: {  	s5 =	sand.u32 $0xFFFFFFFE, s1  }
0xa7: {  	p0 =	sne.s32 s1, s5  }
0xa8: {  	s5 =	sshll.u32 @p0 s5, $0xE  }
0xa9: {  	s5 =	sadd.s32 @p0 $0x11B8D, s5;
	s6 =	sshll.u32 @p0 s4, $0x11  }
0xaa: {  	s5 =	sor.u32 @p0 s6, s5  }
0xab: {  	[sflag:s5] =	ssyncadd.remote.s32 @p0 $0x1;
	_ =	sdelay $0x1  }
0xac: {  	s5 =	simm.s32 @p0 $0x1B8D  }
0xad: {  	_ =	swait.eq @p0 [sflag:s5], $0x1  }
0xae: {  	[sflag:s5] =	ssyncadd.s32 @p0 $0xFFFFFFFF  }
0xaf: {  	s6 =	sshll.u32 @!p0 s1, $0xE  }
0xb0: {  	s6 =	sor.u32 @!p0 $0x4000, s6;
	s5 =	simm.s32 @!p0 $0x1B8D  }
0xb1: {  	s4 =	sshll.u32 @!p0 s4, $0x11;
	s6 =	sadd.s32 @!p0 $0x11B8D, s6;
	_ =	swait.eq @!p0 [sflag:s5], $0x1  }
0xb2: {  	s4 =	sor.u32 @!p0 s4, s6;
	[sflag:s5] =	ssyncadd.s32 @!p0 $0xFFFFFFFF  }
0xb3: {  	s25 =	simm.s32 $0x1B8E;
	s24 =	sld [smem:$0x3FFE];
	[sflag:s4] =	ssyncadd.remote.s32 @!p0 $0x1  }
0xb4: {  	s26 =	simm.s32 $execute0_lowered;
	[smem:$0x3FD2] =	sst s25  }
0xb5: {  	s5 =	sshll.u32 s26, $0x1;
	_ =	strace $0x8000004C;
	[dreg:$0x1] =	wrdreg $0xFFFFFFFF  }
0xb6: {  	s28 =	simm.s32 $_size_execute0_lowered;
	s3 =	sadd.s32 s3, s5;
	[dreg:$0x0] =	wrdreg $0x0  }
0xb7: {  	s5 =	sshll.u32 s28, $0x1;
	[dreg:$0x2] =	wrdreg s3  }
0xb8: {  	[dreg:$0x3] =	wrdreg s5  }
0xb9: {  	[dreg:$0x4] =	wrdreg $0xC0  }
0xba: {  	_ =	task [dreg:s22], $0x5FFFF  }
0xbb: {  	[dreg:$0x1] =	wrdreg $0xFFFFFFFF  }
0xbc: {  	[dreg:$0x0] =	wrdreg $0x60  }
0xbd: {  	[dreg:$0x2] =	wrdreg s24  }
0xbe: {  	[dreg:$0x3] =	wrdreg $0xA  }
0xbf: {  	_ =	task.clear_ibuf [dreg:s22], $0x4FFFF;
	_ =	strace $0x9000004C  }
0xc0: {  	s29 =	simm.s32 $0xA;
	_ =	strace $0x8000004E  }
0xc1: {  	_ =	swait.ge [sflag:s29], $0x1  }
0xc2: {  	[sflag:s29] =	ssyncadd.s32 $0xFFFFFFFF  }
0xc3: {  	_ =	strace $0x9000004E  }
0xc4: {  	_ =	sfence  }
0xc5: {  	s30 =	sld [smem:$0x0];
	_ =	sdelay $0x2  }
0xc6: {  	s31 =	sshll.u32 s1, $0xD;
	s1 =	sshrl.u32 s1, $0x2  }
0xc7: {  	s4 =	sand.u32 $0x4000, s31;
	s1 =	sadd.s32 s1, s30  }
0xc8: {  	s0 =	sor.u32 s4, s0;
	s1 =	sshll.u32 s1, $0x11  }
0xc9: {  	s0 =	sor.u32 s1, s0  }
0xca: {  	s0 =	sadd.s32 $0x8F2B, s0  }
0xcb: {  	[sflag:s0] =	ssyncadd.remote.s32 $0x1  }
0xcc: {  	_ =	sfence.sel $0xFFFF  }
0xcd: {  	[dreg:$0x0] =	wrdreg $0xFFFFFFFF;
	(pc) =	sbr.abs _section_cstart, $3  }
0xce: {  	[dreg:$0x1] =	wrdreg $0xFFFFFFFF  }
0xcf: {  	_ =	task.clear_ibuf [dreg:s22], $0x2FFFF;
	_ =	strace $0x9FFFFFFF  }
0xd0: {  	(tm) =	ssettm $0x7FFFFFFF  }
0xd1: {  	_ =	shalt  }
tec
execute0_lowered:
.L_overlay_start_1:
0x0: {  	(tag) =	ssettag $0x1  }
0x1: {  	s1 =	srdreg.scid;
	s0 =	stileid.u32  }
0x2: {  	s14 =	sand.u32 $0x1, s1;
	s29 =	sshll.u32 s0, $0x1  }
0x3: {  	s12 =	sor.u32 s14, s29  }
0x4: {  	s5 =	smul.u32 $0x340, s12  }
0x5: {  	s13 =	rddreg [dreg:$0x0];
	s2 =	simm.s32 $0x0;
	s4 =	simm.s32 $0x5  }
0x6: {  	[smem:$0x7FF] =	sst s2;
	s8 =	sadd.s32 $0x341600, s13;
	s3 =	sshrl.u32 s5, $0x3  }
0x7: {  	s1 =	rddreg [dreg:$0x1];
	_ =	strace $0x8000004D;
	s3 =	sadd.s32 s8, s3  }
0x8: {  	[tilespmem:s2], [sflag:$0x5] =	stream.linear.gather [hbm4b:s3+s2], $0x1A0, $0x38;
	[tilespmem:$0x1A400] =	vst v63  }
0x9: {  	s6 =	simm.s32 $0x1A0;
	_ =	swait.ge [sflag:s4], $0x1A0  }
0xa: {  	s7 =	simm.s32 $0x400;
	s15 =	sadd.s32 $0x1A0, s5;
	[sflag:s4] =	ssyncset.done $0x0  }
0xb: {  	s5 =	sadd.s32 $0x1A1600, s13;
	s9 =	sshrl.u32 s15, $0x3;
	[sflag:s4] =	ssyncadd.s32 $0xFFFFFE60  }
0xc: {  	[tilespmem:s7], [sflag:$0x1] =	stream.indirect.gather [hbm4b:s5+s6], $0x80, s2, s6, $0xb8;
	[tilespmem:$0x1A400] =	vst v63  }
0xd: {  	s8 =	sadd.s32 s8, s9;
	s9 =	simm.s32 $0x200  }
0xe: {  	[tilespmem:s9], [sflag:$0x5] =	stream.linear.gather [hbm4b:s8+s2], $0x1A0, $0x38;
	[tilespmem:$0x1A400] =	vst v63  }
0xf: {  	_ =	swait.ge [sflag:s4], $0x1A0  }
0x10: {  	s10 =	simm.s32 $0xD400;
	[sflag:s4] =	ssyncset.done $0x0  }
0x11: {  	s11 =	simm.s32 $0x1;
	s12 =	smul.u32 $0x3400, s12;
	[sflag:s4] =	ssyncadd.s32 $0xFFFFFE60  }
0x12: {  	[tilespmem:s10], [sflag:$0x2] =	stream.indirect.gather [hbm4b:s5+s6], $0x80, s9, s6, $0xb8;
	[tilespmem:$0x1A400] =	vst v63  }
0x13: {  	s16 =	sadd.s32 $0x1600, s13;
	s17 =	ssub.s32 $0x2, s14;
	_ =	swait.ge [sflag:s11], $0xD000  }
0x14: {  	s31 =	sshrl.u32 s17, $0x1;
	s12 =	sadd.s32 s16, s12;
	[sflag:s11] =	ssyncset.done $0x0  }
0x15: {  	s13 =	simm.s32 $0x2;
	s30 =	sshll.u32 s15, $0x4;
	[sflag:s11] =	ssyncadd.s32 $0xFFFF3000  }
0x16: {  	[hbm4b:s12+s2] =	stream.linear.scatter [tilespmem:s7], [sflag:$0x3], $0xD000, $0x38;
	[tilespmem:$0x1A400] =	vst v63  }
0x17: {  	s14 =	sadd.s32 s16, s30;
	s16 =	ssub.s32 s17, s31;
	_ =	swait.ge [sflag:s13], $0xD000  }
0x18: {  	s17 =	smax.u32 s16, $0x1;
	[sflag:s13] =	ssyncset.done $0x0  }
0x19: {  	s15 =	simm.s32 $0x3;
	p0 =	sne.s32 s17, $0x1;
	[sflag:s13] =	ssyncadd.s32 $0xFFFF3000  }
0x1a: {  	[hbm4b:s14+s2] =	stream.linear.scatter [tilespmem:s10], [sflag:$0x4], $0xD000, $0x38;
	[tilespmem:$0x1A400] =	vst v63  }
.Ltmp0:
0x1b: {  	_ =	swait.ge [sflag:s15], $0xD000;
	(pc) =	sbr.rel @!p0 .LBB2_2-.Ltmp0, $4  }
0x1c: {  	[sflag:s15] =	ssyncset.done $0x0  }
0x1d: {  	s16 =	simm.s32 $0x4;
	[sflag:s15] =	ssyncadd.s32 $0xFFFF3000  }
0x1e: {  	_ =	swait.ge [sflag:s16], $0xD000  }
0x1f: {  	s17 =	sadd.s32 $0xFFFFFFFF, s17;
	[sflag:s16] =	ssyncset.done $0x0  }
.LBB2_1:
0x20: {  	p0 =	sne.s32 s17, $0x1;
	s17 =	sadd.s32 $0xFFFFFFFF, s17;
	[sflag:s16] =	ssyncadd.s32 $0xFFFF3000  }
0x21: {  	[tilespmem:s2], [sflag:$0x5] =	stream.linear.gather [hbm4b:s3+s2], $0x1A0, $0x38;
	[tilespmem:$0x1A400] =	vst v63  }
0x22: {  	_ =	swait.ge [sflag:s4], $0x1A0  }
0x23: {  	[sflag:s4] =	ssyncset.done $0x0  }
0x24: {  	[sflag:s4] =	ssyncadd.s32 $0xFFFFFE60  }
0x25: {  	[tilespmem:s7], [sflag:$0x1] =	stream.indirect.gather [hbm4b:s5+s6], $0x80, s2, s6, $0xb8;
	[tilespmem:$0x1A400] =	vst v63  }
0x26: {  	_ = 	snop  }
0x27: {  	[tilespmem:s9], [sflag:$0x5] =	stream.linear.gather [hbm4b:s8+s2], $0x1A0, $0x38;
	[tilespmem:$0x1A400] =	vst v63  }
0x28: {  	_ =	swait.ge [sflag:s4], $0x1A0  }
0x29: {  	[sflag:s4] =	ssyncset.done $0x0  }
0x2a: {  	[sflag:s4] =	ssyncadd.s32 $0xFFFFFE60  }
0x2b: {  	[tilespmem:s10], [sflag:$0x2] =	stream.indirect.gather [hbm4b:s5+s6], $0x80, s9, s6, $0xb8;
	[tilespmem:$0x1A400] =	vst v63  }
0x2c: {  	_ =	swait.ge [sflag:s11], $0xD000  }
0x2d: {  	[sflag:s11] =	ssyncset.done $0x0  }
0x2e: {  	[sflag:s11] =	ssyncadd.s32 $0xFFFF3000  }
0x2f: {  	[hbm4b:s12+s2] =	stream.linear.scatter [tilespmem:s7], [sflag:$0x3], $0xD000, $0x38;
	[tilespmem:$0x1A400] =	vst v63  }
0x30: {  	_ =	swait.ge [sflag:s13], $0xD000  }
0x31: {  	[sflag:s13] =	ssyncset.done $0x0  }
0x32: {  	[sflag:s13] =	ssyncadd.s32 $0xFFFF3000  }
0x33: {  	[hbm4b:s14+s2] =	stream.linear.scatter [tilespmem:s10], [sflag:$0x4], $0xD000, $0x38;
	[tilespmem:$0x1A400] =	vst v63  }
.Ltmp1:
0x34: {  	_ =	swait.ge [sflag:s15], $0xD000;
	(pc) =	sbr.rel @p0 .LBB2_1-.Ltmp1, $4  }
0x35: {  	[sflag:s15] =	ssyncset.done $0x0  }
0x36: {  	[sflag:s15] =	ssyncadd.s32 $0xFFFF3000  }
0x37: {  	_ =	swait.ge [sflag:s16], $0xD000  }
0x38: {  	[sflag:s16] =	ssyncset.done $0x0  }
.LBB2_2:
0x39: {  	[sflag:s16] =	ssyncadd.s32 $0xFFFF3000  }
0x3a: {  	_ =	sfence.sel $0x180000  }
0x3b: {  	[bflag:$0x0] =	sbarrier.arrive $0xFFFF  }
0x3c: {  	p0 =	sne.s32 s0, $0x0;
	_ =	strace $0x9000004D  }
0x3d: {  	s0 =	sadd.s32 @!p0 $0x100000, s1;
	[bflag:$0x2] =	sbarrier.arrive $0xFFFF  }
0x3e: {  	[sflag:s0] =	ssyncadd.tile.s32 @!p0 $0x1;
	_ =	shalt  }
.Lfunc_end2:
_tile_overlayer_lowered:
.L_overlay_start_2:
0x3f: {  	(tag) =	ssettag $0x2  }
0x40: {  	s0 =	rddreg [dreg:$0x0];
	s2 =	stileid.u32  }
0x41: {  	s1 =	rddreg [dreg:$0x1];
	p0 =	sne.s32 s2, $0x0  }
0x42: {  	s3 =	rddreg [dreg:$0x2];
	[bflag:$0x3] =	sbarrier.arrive $0xFFFF;
	s2 =	simm.s32 @!p0 $0x1C05  }
0x43: {  	[timem:s3], [sflag:s2] =	dma.local @!p0 [hbm:s0], s1  }
0x44: {  	s0 =	simm.s32 @!p0 $0x5  }
0x45: {  	_ =	swait.ge @!p0 [sflag:s0], s1  }
0x46: {  	s1 =	ssub.s32 @!p0 $0x0, s1;
	[sflag:s0] =	ssyncset.done @!p0 $0x0  }
0x47: {  	[sflag:s0] =	ssyncadd.s32 @!p0 s1  }
0x48: {  	[bflag:$0x3] =	sbarrier.arrive $0xFFFF  }
0x49: {  	_ =	shalt  }

// kernel: sparse-core-data-format-call.cloned.1.call-start
scs
called_computation_lowered:
.L_overlay_start_0:
0x0: {  	s1 =	sld [smem:$0x3FD9]  }
0x1: {  	s2 =	sld [smem:$0x3FFE];
	_ =	sdelay $0x1  }
0x2: {  	s3 =	srdreg.scid  }
0x3: {  	s0 =	sand.u32 $0x1, s3  }
0x4: {  	s17 =	sshll.u32 s0, $0xA;
	s1 =	sadd.s32 s2, s1  }
0x5: {  	s1 =	sadd.s32 s1, s17  }
0x6: {  	[smem:$0x3FC2] =	sst s1  }
0x7: {  	_ = 	snop  }
0x8: {  	(tm) =	ssettm $0x1  }
0x9: {  	s18 =	sld [smem:$0x3FFB];
	_ =	sdelay $0x3  }
0xa: {  	_ =	strace s18  }
0xb: {  	s1 =	sld [smem:$0x3FFC];
	_ =	sdelay $0x3  }
0xc: {  	_ =	strace s1  }
0xd: {  	s1 =	sld [smem:$0x3FFD];
	_ =	sdelay $0x3  }
0xe: {  	_ =	strace s1  }
0xf: {  	_ =	strace $0x8FFFFFFF  }
0x10: {  	s19 =	sld [smem:$0x3FDB];
	_ =	sdelay $0x1  }
0x11: {  	s20 =	simm.s32 $_scs_section_size  }
0x12: {  	s4 =	simm.s32 $_size__tile_overlayer_lowered;
	s5 =	simm.s32 $_tile_overlayer_lowered  }
0x13: {  	s23 =	simm.s32 $0x1BFF;
	s22 =	sshll.u32 s5, $0x1;
	s1 =	sadd.s32 s20, s19  }
0x14: {  	s6 =	simm.s32 $0x0;
	s21 =	sshll.u32 s4, $0x1;
	s4 =	sadd.s32 s22, s1  }
0x15: {  	[timem:s6], [sflag:s23] =	dma.local [hbm:s4], s21  }
0x16: {  	_ =	swait.ge [sflag:s23], s21  }
0x17: {  	s2 =	ssub.s32 $0x0, s21;
	[sflag:s23] =	ssyncset.done $0x0  }
0x18: {  	[sflag:s23] =	ssyncadd.s32 s2;
	_ =	sdelay $0x1  }
0x19: {  	s24 =	simm.s32 $0x1B8B  }
0x1a: {  	_ =	swait.ge [sflag:s24], $0x1  }
0x1b: {  	[sflag:s24] =	ssyncset.done $0x0  }
0x1c: {  	s26 =	simm.s32 $0x1B8E;
	s25 =	sld [smem:$0x3FFE];
	[sflag:s24] =	ssyncadd.s32 $0xFFFFFFFF  }
0x1d: {  	s27 =	simm.s32 $execute0_lowered;
	[smem:$0x3FD2] =	sst s26  }
0x1e: {  	s4 =	sshll.u32 s27, $0x1;
	_ =	strace $0x80000046;
	[dreg:$0x1] =	wrdreg $0xFFFFFFFF  }
0x1f: {  	s28 =	simm.s32 $_size_execute0_lowered;
	s1 =	sadd.s32 s1, s4;
	[dreg:$0x0] =	wrdreg $0x0  }
0x20: {  	s4 =	sshll.u32 s28, $0x1;
	[dreg:$0x2] =	wrdreg s1  }
0x21: {  	[dreg:$0x3] =	wrdreg s4  }
0x22: {  	[dreg:$0x4] =	wrdreg $0xC0  }
0x23: {  	_ =	task [dreg:s6], $0x5FFFF  }
0x24: {  	[dreg:$0x1] =	wrdreg $0xFFFFFFFF  }
0x25: {  	[dreg:$0x0] =	wrdreg $0x60  }
0x26: {  	[dreg:$0x2] =	wrdreg s25  }
0x27: {  	[dreg:$0x3] =	wrdreg $0xA  }
0x28: {  	_ =	task.clear_ibuf [dreg:s6], $0x4FFFF;
	_ =	strace $0x90000046  }
0x29: {  	s29 =	simm.s32 $0xA;
	_ =	strace $0x80000048  }
0x2a: {  	_ =	swait.ge [sflag:s29], $0x1  }
0x2b: {  	[sflag:s29] =	ssyncadd.s32 $0xFFFFFFFF  }
0x2c: {  	_ =	strace $0x90000048  }
0x2d: {  	_ =	sfence  }
0x2e: {  	s30 =	sld [smem:$0x0];
	_ =	sdelay $0x2  }
0x2f: {  	s31 =	sshll.u32 s3, $0xD;
	s3 =	sshrl.u32 s3, $0x2  }
0x30: {  	s2 =	sand.u32 $0x4000, s31;
	s1 =	sadd.s32 s3, s30  }
0x31: {  	s0 =	sor.u32 s2, s0;
	s1 =	sshll.u32 s1, $0x11  }
0x32: {  	s0 =	sor.u32 s1, s0  }
0x33: {  	s0 =	sadd.s32 $0x8F2B, s0  }
0x34: {  	[sflag:s0] =	ssyncadd.remote.s32 $0x1  }
0x35: {  	_ =	sfence.sel $0xFFFF  }
0x36: {  	[dreg:$0x0] =	wrdreg $0xFFFFFFFF;
	(pc) =	sbr.abs _section_cstart, $3  }
0x37: {  	[dreg:$0x1] =	wrdreg $0xFFFFFFFF  }
0x38: {  	_ =	task.clear_ibuf [dreg:s6], $0x2FFFF;
	_ =	strace $0x9FFFFFFF  }
0x39: {  	(tm) =	ssettm $0x7FFFFFFF  }
tec
execute0_lowered:
.L_overlay_start_1:
0x0: {  	(tag) =	ssettag $0x1  }
0x1: {  	s0 =	srdreg.scid  }
0x2: {  	s1 =	sshll.u32 s0, $0x4  }
0x3: {  	s0 =	stileid.u32;
	s1 =	sand.u32 $0x10, s1  }
0x4: {  	s1 =	sor.u32 s0, s1  }
0x5: {  	s5 =	rddreg [dreg:$0x0];
	s4 =	simm.s32 $0x1;
	s2 =	sshll.u32 s1, $0x7  }
0x6: {  	s7 =	simm.s32 $0x2;
	s8 =	simm.s32 $0x0;
	s3 =	ssub.s32 $0x1000, s2  }
0x7: {  	s12 =	simm.s32 $0x0;
	s11 =	simm.s32 $0x0;
	s31 =	sand.u32 $0xF80, s3  }
0x8: {  	s9 =	simm.s32 $0x0;
	s10 =	simm.s32 $0x0;
	p0 =	sne.s32 s31, $0x0  }
.Ltmp0:
0x9: {  	s3 =	sshrl.u32 s3, $0xC;
	s4 =	simm.s32 @!p0 $0x0;
	(pc) =	sbr.rel .LBB1_1-.Ltmp0, $4  }
0xa: {  	s1 =	rddreg [dreg:$0x1];
	_ =	strace $0x80000047;
	s4 =	sadd.s32 s4, s3  }
0xb: {  	s6 =	sadd.s32 s2, s5;
	s3 =	simm.s32 $0x1;
	s4 =	smul.u32 $0x1A, s4  }
0xc: {  	s5 =	sadd.s32 $0x1A1600, s5;
	s6 =	sadd.s32 $0x1600, s6;
	[sflag:s3] =	ssyncpa.u1 $0x0  }
0xd: {  	p0 =	por $0x0, $0x0;
	[sflag:s7] =	ssyncpa.u1 $0x0;
	s7 =	sor.u32 $0x1, s4  }
.LBB1_4:
0xe: {  	v5 =	vld [tilespmem:s16+$0xFFFFFFD0];
	[tilespmem:s15+$0x2040 ss:$0x81] =	vst.msk $0xffff, v1  }
0xf: {  	v58 =	vld [tilespmem:s16+$0xFFFFFFE0];
	[tilespmem:s15+$0x2850 ss:$0x81] =	vst.msk $0xffff, v2  }
0x10: {  	s17 =	sshra.s32 s17, $0x2;
	v59 =	vld [tilespmem:s16+$0xFFFFFFF0];
	[tilespmem:s15+$0x3060 ss:$0x81] =	vst.msk $0xffff, v3  }
0x11: {  	v60 =	vld [tilespmem:s16+$0x0];
	[tilespmem:s15+$0x0 ss:$0x81] =	vst.msk $0xffff, v0;
	s14 =	sadd.s32 s17, s14  }
0x12: {  	v61 =	vld [tilespmem:s16+$0x10];
	[tilespmem:s14+$0x3870 ss:$0x81] =	vst.msk $0xffff, v4  }
0x13: {  	v62 =	vld [tilespmem:s16+$0x20];
	[tilespmem:s14+$0x810 ss:$0x81] =	vst.msk $0xffff, v5  }
0x14: {  	v63 =	vld [tilespmem:s16+$0xFFFFFFC0];
	[tilespmem:s14+$0x1020 ss:$0x81] =	vst.msk $0xffff, v58  }
0x15: {  	[tilespmem:s14+$0x1830 ss:$0x81] =	vst.msk $0xffff, v59  }
0x16: {  	[tilespmem:s14+$0x2040 ss:$0x81] =	vst.msk $0xffff, v60  }
0x17: {  	s12 =	sshll.u32 s12, $0x4;
	s11 =	sshll.u32 s11, $0x10;
	[tilespmem:s14+$0x2850 ss:$0x81] =	vst.msk $0xffff, v61  }
0x18: {  	s12 =	sand.u32 $0xF800, s12;
	s11 =	sadd.s32 s5, s11;
	[tilespmem:s14+$0x3060 ss:$0x81] =	vst.msk $0xffff, v62  }
0x19: {  	s11 =	sadd.s32 s12, s11;
	[tilespmem:s14+$0x0 ss:$0x81] =	vst.msk $0xffff, v63  }
0x1a: {  	[hbm4b:s11+s8] =	stream.linear.scatter [tilespmem:s13], [sflag:$0x2], $0x4000, $0x20;
	[tilespmem:$0x10100] =	vst v63  }
.LBB1_5:
0x1b: {  	s13 =	sadd.s32 $0x1, s9  }
0x1c: {  	p2 =	sgt.s32 s13, $0x19  }
0x1d: {  	s13 =	simm.s32 @p2 $0x0;
	p2 =	sne.s32 s10, s7  }
.Ltmp1:
0x1e: {  	p1 =	slt.u32 s10, $0x2;
	(pc) =	sbr.rel @!p2 .LBB1_6-.Ltmp1, $4  }
0x1f: {  	s12 =	simm.s32 @!p1 $0x2  }
0x20: {  	s14 =	sadd.s32 $0x1, s10;
	s11 =	smov.u32 s9;
	_ =	swait.ge @!p1 [sflag:s12], $0x4000  }
0x21: {  	p0 =	por !p0, !p0;
	s10 =	smov.u32 s14;
	[sflag:s12] =	ssyncset.done @!p1 $0x0  }
0x22: {  	s9 =	smov.u32 s13;
	[sflag:s12] =	ssyncadd.s32 @!p1 $0xFFFFC000;
	s12 =	smov.u32 s2  }
.LBB1_1:
0x23: {  	p1 =	sge.u32 s10, s4  }
0x24: {  	s31 =	sadd.s32 $0xFFFFFFFF, s10;
	s13 =	sxor.u32 @!p1 $0xFFFFFFFF, s10  }
0x25: {  	s14 =	sshll.u32 @!p1 s9, $0x10;
	s15 =	simm.s32 @!p1 $0x400;
	s13 =	sshll.u32 @!p1 s13, $0xE  }
0x26: {  	s16 =	simm.s32 @!p1 $0x8000;
	s14 =	sadd.s32 @!p1 s14, s6;
	s13 =	sand.u32 @!p1 $0x4000, s13  }
0x27: {  	[tilespmem:s13], [sflag:$0x1] =	stream.strided.gather @!p1 [hbm4b:s14+s15], $0x4000, s16, s15, $0x38;
	[tilespmem:$0x10100] =	vst v63  }
0x28: {  	p1 =	sge.u32 s31, s4  }
.Ltmp2:
0x29: {  	_ = 	snop;
	(pc) =	sbr.rel @p1 .LBB1_5-.Ltmp2, $1  }
0x2a: {  	_ =	sdelay $0x3  }
0x2b: {  	s13 =	simm.s32 $0x1  }
0x2c: {  	_ =	swait.ge [sflag:s3], $0x4000;
	s13 =	simm.s32 @!p0 $0x0  }
0x2d: {  	[sflag:s3] =	ssyncset.done $0x0;
	s14 =	sshll.u32 s13, $0xE  }
0x2e: {  	[sflag:s3] =	ssyncadd.s32 $0xFFFFC000;
	s16 =	sor.u32 $0x40, s14  }
0x2f: {  	s13 =	smul.u32 $0x10200, s13;
	v0 =	vld [tilespmem:s16+$0x30]  }
0x30: {  	v3 =	vld [tilespmem:s16+$0xFFFFFFD0]  }
0x31: {  	s13 =	sshrl.u32 s13, $0x2;
	v4 =	vld [tilespmem:s16+$0xFFFFFFE0]  }
0x32: {  	v5 =	vld [tilespmem:s16+$0xFFFFFFF0];
	s14 =	sor.u32 $0x8000, s13  }
0x33: {  	s31 =	sand.u32 $0x1, s10;
	v1 =	vld [tilespmem:s16+$0x0];
	s15 =	sadd.s32 $0x0, s14  }
0x34: {  	v2 =	vld [tilespmem:s16+$0x10];
	s13 =	smul.u32 $0x10200, s31;
	[tilespmem:s15+$0x3870 ss:$0x81] =	vst.msk $0xffff, v0  }
0x35: {  	[tilespmem:s15+$0x810 ss:$0x81] =	vst.msk $0xffff, v3;
	v3 =	vld [tilespmem:s16+$0x20]  }
0x36: {  	s13 =	sshrl.u32 s13, $0x2;
	v0 =	vld [tilespmem:s16+$0xFFFFFFC0];
	[tilespmem:s15+$0x1020 ss:$0x81] =	vst.msk $0xffff, v4;
	s16 =	sadd.s32 $0x80, s16  }
0x37: {  	s17 =	simm.s32 $0x4;
	s18 =	simm.s32 $0x8;
	s13 =	sor.u32 $0x8000, s13;
	[tilespmem:s15+$0x1830 ss:$0x81] =	vst.msk $0xffff, v5;
	v4 =	vld [tilespmem:s16+$0x30]  }
.LBB1_3:
0x38: {  	p1 =	sne.s32 s18, $0x1FC;
	v5 =	vld [tilespmem:s16+$0xFFFFFFD0];
	[tilespmem:s15+$0x2040 ss:$0x81] =	vst.msk $0xffff, v1  }
0x39: {  	v6 =	vld [tilespmem:s16+$0xFFFFFFE0];
	[tilespmem:s15+$0x2850 ss:$0x81] =	vst.msk $0xffff, v2  }
0x3a: {  	s19 =	sshra.s32 s17, $0x2;
	s17 =	smov.u32 s18;
	v7 =	vld [tilespmem:s16+$0xFFFFFFF0];
	[tilespmem:s15+$0x3060 ss:$0x81] =	vst.msk $0xffff, v3  }
.Ltmp3:
0x3b: {  	v1 =	vld [tilespmem:s16+$0x0];
	[tilespmem:s15+$0x0 ss:$0x81] =	vst.msk $0xffff, v0;
	s15 =	sadd.s32 s19, s14;
	(pc) =	sbr.rel @p1 .LBB1_3-.Ltmp3, $4  }
0x3c: {  	v2 =	vld [tilespmem:s16+$0x10];
	[tilespmem:s15+$0x3870 ss:$0x81] =	vst.msk $0xffff, v4  }
0x3d: {  	[tilespmem:s15+$0x810 ss:$0x81] =	vst.msk $0xffff, v5;
	v3 =	vld [tilespmem:s16+$0x20]  }
0x3e: {  	v0 =	vld [tilespmem:s16+$0xFFFFFFC0];
	[tilespmem:s15+$0x1020 ss:$0x81] =	vst.msk $0xffff, v6;
	s16 =	sadd.s32 $0x80, s16  }
0x3f: {  	s18 =	sadd.s32 $0x4, s18;
	v4 =	vld [tilespmem:s16+$0x30];
	[tilespmem:s15+$0x1830 ss:$0x81] =	vst.msk $0xffff, v7  }
.Ltmp4:
0x40: {  	_ = 	snop;
	(pc) =	sbr.rel .LBB1_4-.Ltmp4, $1  }
0x41: {  	_ =	sdelay $0x3  }
.LBB1_6:
0x42: {  	_ =	sfence.sel $0x180000  }
0x43: {  	s2 =	simm.s32 $0x1;
	[bflag:$0x0] =	sbarrier.arrive $0xFFFF  }
0x44: {  	s31 =	simm.s32 $0x2;
	[sflag:s2] =	ssyncpa.u1 $0x1  }
0x45: {  	[sflag:s31] =	ssyncpa.u1 $0x1  }
0x46: {  	p0 =	sne.s32 s0, $0x0;
	_ =	strace $0x90000047  }
0x47: {  	s0 =	sadd.s32 @!p0 $0x100000, s1;
	[bflag:$0x2] =	sbarrier.arrive $0xFFFF  }
0x48: {  	[sflag:s0] =	ssyncadd.tile.s32 @!p0 $0x1;
	_ =	shalt  }
.Lfunc_end1:
_tile_overlayer_lowered:
.L_overlay_start_2:
0x49: {  	(tag) =	ssettag $0x2  }
0x4a: {  	s0 =	rddreg [dreg:$0x0];
	s2 =	stileid.u32  }
0x4b: {  	s1 =	rddreg [dreg:$0x1];
	p0 =	sne.s32 s2, $0x0  }
0x4c: {  	s3 =	rddreg [dreg:$0x2];
	[bflag:$0x3] =	sbarrier.arrive $0xFFFF;
	s2 =	simm.s32 @!p0 $0x1C01  }
0x4d: {  	[timem:s3], [sflag:s2] =	dma.local @!p0 [hbm:s0], s1  }
0x4e: {  	s0 =	simm.s32 @!p0 $0x1  }
0x4f: {  	_ =	swait.ge @!p0 [sflag:s0], s1  }
0x50: {  	s1 =	ssub.s32 @!p0 $0x0, s1;
	[sflag:s0] =	ssyncset.done @!p0 $0x0  }
0x51: {  	[sflag:s0] =	ssyncadd.s32 @!p0 s1  }
0x52: {  	[bflag:$0x3] =	sbarrier.arrive $0xFFFF  }
0x53: {  	_ =	shalt  }

</sc_bundles>
